<compile_context>
chip_gen: v7x
topology: tpu7x:2x2x1
jax: 0.10.2.dev20260603
libtpu: 0.0.44.dev20260713+nightly
codegen_flags: <defaults>
</compile_context>

<pallas_src>
import functools

import jax
import jax.numpy as jnp
from jax import lax
from jax.experimental import pallas as pl
from jax.experimental.pallas import tpu as pltpu
from jax.experimental.pallas import tpu_sc as plsc

NC, NS, LANES = 2, 16, 16
NW = NC * NS

GT, PCT, EQ, HASH = 25, 14, 10, 11
NEG = -1e9
TC_W = 512


@functools.lru_cache(maxsize=None)
def _build_sc(B, B_sc, L, V):
    assert B_sc % (NW * LANES) == 0 and L % 8 == 0 and V == 32
    cols_w = B_sc // NW
    CB = min(128, cols_w)
    assert cols_w % CB == 0
    nblk = cols_w // CB

    mesh = plsc.VectorSubcoreMesh(
        core_axis_name="c", subcore_axis_name="s",
        num_cores=NC, num_subcores=NS)

    @functools.partial(
        pl.kernel,
        out_type=jax.ShapeDtypeStruct((V, B), jnp.float32),
        mesh=mesh,
        compiler_params=pltpu.CompilerParams(needs_layout_passes=False),
        scratch_types=[
            pltpu.VMEM((L, CB), jnp.int32),
            pltpu.VMEM((L, CB), jnp.int32),
            pltpu.VMEM((V, CB), jnp.float32),
            pltpu.VMEM((V, CB), jnp.float32),
            pltpu.VMEM((32,), jnp.int32),
            pltpu.SemaphoreType.DMA,
            pltpu.SemaphoreType.DMA,
            pltpu.SemaphoreType.DMA,
            pltpu.SemaphoreType.DMA,
            pltpu.SemaphoreType.DMA,
            pltpu.SemaphoreType.DMA,
        ],
    )
    def sc_kernel(tok_hbm, log_hbm, out_hbm,
                  tok_v0, tok_v1, out_v0, out_v1, dtbl_v,
                  st0, st1, sl0, sl1, so0, so1):
        iota = lax.iota(jnp.int32, LANES)
        wid = lax.axis_index("s") * NC + lax.axis_index("c")

        one = jnp.full((LANES,), 1, jnp.int32)
        zero16 = jnp.zeros((LANES,), jnp.int32)
        low = (jnp.where(iota == 6, one, zero16)
               + jnp.where(iota == 8, one, zero16)
               - jnp.where(iota == 7, one, zero16)
               - jnp.where(iota == 9, one, zero16))
        dtbl_v[pl.ds(0, LANES)] = low
        dtbl_v[pl.ds(LANES, LANES)] = zero16

        toks = (tok_v0, tok_v1)
        outs = (out_v0, out_v1)
        stoks = (st0, st1)
        slogs = (sl0, sl1)
        souts = (so0, so1)

        def two_groups(tok_v, out_v, g0, g1):
            offs = (g0 * LANES, g1 * LANES)
            full = lambda k: jnp.full((LANES,), k, jnp.int32)
            lastv = [tok_v[L - 1, pl.ds(o, LANES)] for o in offs]

            def body(i, carry):
                c0, p0, r0, c1, p1, r1 = carry
                cs, ps, rs = [c0, c1], [p0, p1], [r0, r1]
                for u in range(4):
                    pos = i * 4 + u
                    for k in (0, 1):
                        t = tok_v[pos, pl.ds(offs[k], LANES)]
                        d = plsc.load_gather(dtbl_v, [t])
                        cs[k] = jnp.maximum(cs[k] + d, 0)
                        rs[k] = jnp.where(
                            (ps[k] == lastv[k]) & (t == PCT), 1, rs[k])
                        ps[k] = t
                return cs[0], ps[0], rs[0], cs[1], ps[1], rs[1]

            zero = jnp.zeros((LANES,), jnp.int32)
            out = lax.fori_loop(
                0, L // 4, body,
                (zero, full(-1), zero, zero, full(-1), zero))
            cs = (out[0], out[3])
            rs = (out[2], out[5])
            t197 = [tok_v[L - 3, pl.ds(o, LANES)] for o in offs]
            t198 = [tok_v[L - 2, pl.ds(o, LANES)] for o in offs]

            neg = jnp.full((LANES,), NEG, jnp.float32)
            for k in (0, 1):
                bracket = cs[k] > 0
                lv = lastv[k]
                ring_hit = (rs[k] > 0) & (lv >= 15) & (lv <= 24)
                bond = (((t197[k] == EQ) | (t197[k] == HASH)).astype(jnp.int32)
                        + ((t198[k] == EQ) | (t198[k] == HASH)).astype(jnp.int32)
                        + ((lv == EQ) | (lv == HASH)).astype(jnp.int32))
                maxb = jnp.where(lv == 0, 4,
                                 jnp.where(lv == 1, 2,
                                           jnp.where(lv == 2, 3, 99)))
                val_hit = (lv <= 2) & (bond >= maxb)
                bcol = offs[k] + iota
                plsc.addupdate_scatter(out_v, [full(GT), bcol], neg,
                                       mask=bracket)
                plsc.addupdate_scatter(out_v, [lv, bcol], neg, mask=ring_hit)
                plsc.addupdate_scatter(out_v, [full(EQ), bcol], neg,
                                       mask=val_hit)
                plsc.addupdate_scatter(out_v, [full(HASH), bcol], neg,
                                       mask=val_hit)

        col0 = wid * cols_w

        def start_in(blk):
            buf = blk % 2
            cb = col0 + blk * CB
            ht = pltpu.make_async_copy(
                tok_hbm.at[:, pl.ds(cb, CB)], toks[buf], stoks[buf])
            ht.start()
            hl = pltpu.make_async_copy(
                log_hbm.at[:, pl.ds(cb, CB)], outs[buf], slogs[buf])
            hl.start()
            return ht, hl

        def start_out(blk):
            buf = blk % 2
            cb = col0 + blk * CB
            ho = pltpu.make_async_copy(
                outs[buf], out_hbm.at[:, pl.ds(cb, CB)], souts[buf])
            ho.start()
            return ho

        pending_in = start_in(0)
        pending_out = None
        for blk in range(nblk):
            buf = blk % 2
            ht, hl = pending_in
            ht.wait()
            hl.wait()
            if pending_out is not None:
                pending_out.wait()
                pending_out = None
            if blk + 1 < nblk:
                nxt_t = pltpu.make_async_copy(
                    tok_hbm.at[:, pl.ds(col0 + (blk + 1) * CB, CB)],
                    toks[1 - buf], stoks[1 - buf])
                nxt_t.start()
                nxt_l = pltpu.make_async_copy(
                    log_hbm.at[:, pl.ds(col0 + (blk + 1) * CB, CB)],
                    outs[1 - buf], slogs[1 - buf])
                nxt_l.start()
                pending_in = (nxt_t, nxt_l)

            def gp_body(gp, _, _buf=buf):
                two_groups(toks[_buf], outs[_buf], 2 * gp, 2 * gp + 1)
                return 0
            lax.fori_loop(0, CB // LANES // 2, gp_body, 0)
            pending_out = start_out(blk)
        pending_out.wait()

    return sc_kernel


@functools.lru_cache(maxsize=None)
def _build_tc(B, B_sc, L, V):
    B_tc = B - B_sc
    assert B_tc % TC_W == 0 and B_sc % TC_W == 0
    blk0 = B_sc // TC_W

    def body(tok_ref, log_ref, out_ref):
        t = tok_ref[...]
        d = (((t == 6) | (t == 8)).astype(jnp.int32)
             - ((t == 7) | (t == 9)).astype(jnp.int32))
        ps = d
        k = 1
        while k < L:
            shifted = jnp.concatenate(
                [jnp.zeros((k, TC_W), jnp.int32), ps[:-k, :]], axis=0)
            ps = ps + shifted
            k *= 2
        total = ps[L - 1:L, :]
        minp = jnp.minimum(jnp.min(ps, axis=0, keepdims=True), 0)
        bracket = (total - minp) > 0
        last = t[L - 1:L, :]
        pair = (t[:L - 1, :] == last) & (t[1:, :] == PCT)
        ring = (jnp.any(pair, axis=0, keepdims=True)
                & (last >= 15) & (last <= 24))
        bond = (((t[L - 3:L - 2] == EQ)
                 | (t[L - 3:L - 2] == HASH)).astype(jnp.int32)
                + ((t[L - 2:L - 1] == EQ)
                   | (t[L - 2:L - 1] == HASH)).astype(jnp.int32)
                + ((last == EQ) | (last == HASH)).astype(jnp.int32))
        maxb = jnp.where(last == 0, 4,
                         jnp.where(last == 1, 2, jnp.where(last == 2, 3, 99)))
        val = (last <= 2) & (bond >= maxb)
        col = lax.broadcasted_iota(jnp.int32, (V, 1), 0)
        hit = ((bracket & (col == GT)) | (ring & (col == last))
               | (val & ((col == EQ) | (col == HASH))))
        out_ref[...] = log_ref[...] + jnp.where(hit, NEG, 0.0)

    return pl.pallas_call(
        body,
        grid=(B_tc // TC_W,),
        in_specs=[pl.BlockSpec((L, TC_W), lambda i: (0, blk0 + i)),
                  pl.BlockSpec((V, TC_W), lambda i: (0, blk0 + i))],
        out_specs=pl.BlockSpec((V, TC_W), lambda i: (0, i)),
        out_shape=jax.ShapeDtypeStruct((V, B_tc), jnp.float32),
    )


def kernel(logits, previous_tokens, current_step):
    del current_step
    tok = previous_tokens.astype(jnp.int32)
    logits = logits.astype(jnp.float32)
    B, L = tok.shape
    V = logits.shape[1]
    tok_t = tok.T
    log_t = logits.T
    B_tc = (B // 4) // TC_W * TC_W
    B_sc = B - B_tc
    if B_sc % (NW * LANES) != 0 or (B_sc // NW) % 128 != 0 or B_tc == 0:
        B_tc, B_sc = 0, B
    out_t = _build_sc(B, B_sc, L, V)(tok_t, log_t)
    if B_tc:
        tc_t = _build_tc(B, B_sc, L, V)(tok_t, log_t)
        out_t = lax.dynamic_update_slice(out_t, tc_t, (0, B_sc))
    return out_t.T

# --- scband reference (transcript-rebuilt; emitter-appended) ---
"""Pipeline reference for scband-smilesconstraint-layer-3427383902409 (READ-ONLY COPY).

The authoritative reference and input builder live on the scoring server;
editing this copy changes nothing except your own understanding.
"""

import jax, jax.numpy as jnp
import numpy as np

VOCAB = {"C": 0, "O": 1, "N": 2, "c": 3, "n": 4, "o": 5, "(": 6, ")": 7, "[": 8, "]": 9, "=": 10, "#": 11, "-": 12, "+": 13, "%": 14, "0": 15, "1": 16, "2": 17, "3": 18, "4": 19, "5": 20, "6": 21, "7": 22, "8": 23, "9": 24, ">": 25, "<": 26, "S": 27, "F": 28, "Cl": 29, "Br": 30, "P": 31}
V = len(VOCAB)
GT_ID = VOCAB[">"]; PCT_ID = VOCAB["%"]; EQ_ID = VOCAB["="]; HASH_ID = VOCAB["#"]
OPEN_A, OPEN_B = VOCAB["("], VOCAB["["]
CLOSE_A, CLOSE_B = VOCAB[")"], VOCAB["]"]
_IS_DIGIT = np.zeros(V, dtype=bool)
for _d in range(10):
    _IS_DIGIT[VOCAB[str(_d)]] = True
_MAX_BONDS = np.full(V, 10**6, dtype=np.int32)
_MAX_BONDS[VOCAB["C"]] = 4; _MAX_BONDS[VOCAB["O"]] = 2; _MAX_BONDS[VOCAB["N"]] = 3
_IS_VAL = np.zeros(V, dtype=bool)
_IS_VAL[VOCAB["C"]] = True; _IS_VAL[VOCAB["O"]] = True; _IS_VAL[VOCAB["N"]] = True


def _penalty_mask(previous_tokens):
    # Faithful vectorized version of the per-sample python loops:
    # 1) bracket rule: stack-depth of '('/'[' (pop only if non-empty) -> mask '>' if depth>0
    # 2) ring rule: if last token is a digit d and some earlier position i has
    #    chars[i]==d and chars[i+1]=='%', mask token d
    # 3) valence rule: if last token is C/O/N and count of '='/'#' in last 3 tokens
    #    >= max_bonds(last), mask '=' and '#'
    tok = previous_tokens.astype(jnp.int32)
    B, L = tok.shape
    is_digit = jnp.asarray(_IS_DIGIT)
    max_bonds = jnp.asarray(_MAX_BONDS)
    is_val = jnp.asarray(_IS_VAL)
    is_open = (tok == OPEN_A) | (tok == OPEN_B)
    is_close = (tok == CLOSE_A) | (tok == CLOSE_B)

    def step(c, oc):
        o, cl = oc
        c2 = jnp.where(o, c + 1, jnp.where(cl, jnp.maximum(c - 1, 0), c))
        return c2, None

    def scan_one(o_row, c_row):
        cfin, _ = jax.lax.scan(step, jnp.int32(0), (o_row, c_row))
        return cfin

    open_count = jax.vmap(scan_one)(is_open, is_close)
    bracket_hit = open_count > 0

    last = tok[:, -1]
    ring_hit = is_digit[last] & jnp.any((tok[:, :-1] == last[:, None]) & (tok[:, 1:] == PCT_ID), axis=1)

    if L >= 2:
        bond_count = jnp.sum(((tok[:, -3:] == EQ_ID) | (tok[:, -3:] == HASH_ID)).astype(jnp.int32), axis=1)
        valence_hit = is_val[last] & (bond_count >= max_bonds[last])
    else:
        valence_hit = jnp.zeros((B,), dtype=bool)

    col = jnp.arange(V)
    hit = bracket_hit[:, None] & (col == GT_ID)[None, :]
    hit = hit | (ring_hit[:, None] & (col[None, :] == last[:, None]))
    hit = hit | (valence_hit[:, None] & ((col == EQ_ID) | (col == HASH_ID))[None, :])
    return jnp.where(hit, -1000000000.0, 0.0)


def setup_inputs(seed: int = 0) -> dict:
    key = jax.random.key(seed)
    k1, k2 = jax.random.split(key)
    B, L = 16384, 200
    logits = jax.random.normal(k1, (B, V), dtype=jnp.float32)
    previous_tokens = jax.random.randint(k2, (B, L), 0, V)
    return {"logits": logits, "previous_tokens": previous_tokens, "current_step": L}


def reference(logits, previous_tokens, current_step):
    # current_step is threaded through but (as in the original layer) unused
    return logits + _penalty_mask(previous_tokens)

if __name__ == "__main__":
    import jax
    _d = setup_inputs()
    print(jax.jit(kernel)(*tuple(_d.values())))

</pallas_src>

<mosaic_0001>
#map = affine_map<(d0, d1) -> (0, 0)>
module attributes {stable_mosaic.version = 14 : i64} {
  func.func @sc_kernel(%arg0: i32, %arg1: i32, %arg2: memref<200x16384xi32, #tpu.memory_space<hbm>>, %arg3: memref<32x16384xf32, #tpu.memory_space<hbm>>, %arg4: memref<32x16384xf32, #tpu.memory_space<hbm>>, %arg5: memref<200x128xi32, #tpu.memory_space<vmem>>, %arg6: memref<200x128xi32, #tpu.memory_space<vmem>>, %arg7: memref<32x128xf32, #tpu.memory_space<vmem>>, %arg8: memref<32x128xf32, #tpu.memory_space<vmem>>, %arg9: memref<32xi32, #tpu.memory_space<vmem>>, %arg10: memref<!tpu.dma_semaphore, #tpu.memory_space<semaphore_mem>>, %arg11: memref<!tpu.dma_semaphore, #tpu.memory_space<semaphore_mem>>, %arg12: memref<!tpu.dma_semaphore, #tpu.memory_space<semaphore_mem>>, %arg13: memref<!tpu.dma_semaphore, #tpu.memory_space<semaphore_mem>>, %arg14: memref<!tpu.dma_semaphore, #tpu.memory_space<semaphore_mem>>, %arg15: memref<!tpu.dma_semaphore, #tpu.memory_space<semaphore_mem>>) attributes {dimension_semantics = [#tpu.dimension_semantics<core_parallel>, #tpu.dimension_semantics<subcore_parallel>], iteration_bounds = array<i64: 2, 16>, scalar_prefetch = 0 : i64, scratch_operands = 11 : i64, tpu.core_type = #tpu.core_type<sc_vector_subcore>, window_params = [{transform_indices = #map}, {transform_indices = #map}, {transform_indices = #map}]} {
    %iota3A = tpu.iota {dimensions = array<i32: 0>} : vector<16xi32>
    %mul3A = arith.constant 2 : i32
    %mul3A_0 = arith.muli %arg1, %mul3A : i32
    %add3A = arith.addi %mul3A_0, %arg0 : i32
    %broadcast_in_dim3A = arith.constant 1 : i32
    %broadcast_in_dim3A_1 = vector.broadcast %broadcast_in_dim3A : i32 to vector<16xi32>
    %broadcast_in_dim3A_2 = arith.constant 0 : i32
    %broadcast_in_dim3A_3 = vector.broadcast %broadcast_in_dim3A_2 : i32 to vector<16xi32>
    %eq3A = arith.constant 6 : i32
    %eq3A_4 = vector.broadcast %eq3A : i32 to vector<16xi32>
    %eq3A_5 = arith.cmpi eq, %iota3A, %eq3A_4 : vector<16xi32>
    %select_n3A = arith.select %eq3A_5, %broadcast_in_dim3A_1, %broadcast_in_dim3A_3 : vector<16xi1>, vector<16xi32>
    %eq3A_6 = arith.constant 8 : i32
    %eq3A_7 = vector.broadcast %eq3A_6 : i32 to vector<16xi32>
    %eq3A_8 = arith.cmpi eq, %iota3A, %eq3A_7 : vector<16xi32>
    %select_n3A_9 = arith.select %eq3A_8, %broadcast_in_dim3A_1, %broadcast_in_dim3A_3 : vector<16xi1>, vector<16xi32>
    %add3A_10 = arith.addi %select_n3A, %select_n3A_9 : vector<16xi32>
    %eq3A_11 = arith.constant 7 : i32
    %eq3A_12 = vector.broadcast %eq3A_11 : i32 to vector<16xi32>
    %eq3A_13 = arith.cmpi eq, %iota3A, %eq3A_12 : vector<16xi32>
    %select_n3A_14 = arith.select %eq3A_13, %broadcast_in_dim3A_1, %broadcast_in_dim3A_3 : vector<16xi1>, vector<16xi32>
    %sub3A = arith.subi %add3A_10, %select_n3A_14 : vector<16xi32>
    %eq3A_15 = arith.constant 9 : i32
    %eq3A_16 = vector.broadcast %eq3A_15 : i32 to vector<16xi32>
    %eq3A_17 = arith.cmpi eq, %iota3A, %eq3A_16 : vector<16xi32>
    %select_n3A_18 = arith.select %eq3A_17, %broadcast_in_dim3A_1, %broadcast_in_dim3A_3 : vector<16xi1>, vector<16xi32>
    %sub3A_19 = arith.subi %sub3A, %select_n3A_18 : vector<16xi32>
    %swap3A = arith.constant 0 : index
    %swap3A_20 = tpu.vector_load %arg9[%swap3A] {strides = array<i32>} : memref<32xi32, #tpu.memory_space<vmem>>, vector<16xi32>,
    tpu.vector_store %arg9[%swap3A], %sub3A_19 {strides = array<i32>} : memref<32xi32, #tpu.memory_space<vmem>>, vector<16xi32>,
    %swap3A_21 = arith.constant 16 : index
    %swap3A_22 = tpu.vector_load %arg9[%swap3A_21] {strides = array<i32>} : memref<32xi32, #tpu.memory_space<vmem>>, vector<16xi32>,
    tpu.vector_store %arg9[%swap3A_21], %broadcast_in_dim3A_3 {strides = array<i32>} : memref<32xi32, #tpu.memory_space<vmem>>, vector<16xi32>,
    %mul3A_23 = arith.constant 384 : i32
    %mul3A_24 = arith.muli %add3A, %mul3A_23 : i32
    %add3A_25 = arith.constant 0 : i32
    %add3A_26 = arith.addi %mul3A_24, %add3A_25 : i32
    %dma_start3A = arith.constant 0 : i32
    %dma_start3A_27 = tpu.memref_slice %arg2[%dma_start3A, %add3A_26] : memref<200x16384xi32, #tpu.memory_space<hbm>> -> memref<200x128xi32, #tpu.memory_space<hbm>>
    %dma_start3A_28 = arith.constant 0 : i32
    %dma_start3A_29 = tpu.memref_slice %arg2[%dma_start3A_28, %add3A_26] : memref<200x16384xi32, #tpu.memory_space<hbm>> -> memref<200x128xi32, #tpu.memory_space<hbm>>
    tpu.enqueue_dma source(%dma_start3A_29 : memref<200x128xi32, #tpu.memory_space<hbm>>) target(%arg5 : memref<200x128xi32, #tpu.memory_space<vmem>>) target_semaphore(%arg10 : memref<!tpu.dma_semaphore, #tpu.memory_space<semaphore_mem>>)
    %dma_start3A_30 = arith.constant 0 : i32
    %dma_start3A_31 = tpu.memref_slice %arg3[%dma_start3A_30, %add3A_26] : memref<32x16384xf32, #tpu.memory_space<hbm>> -> memref<32x128xf32, #tpu.memory_space<hbm>>
    %dma_start3A_32 = arith.constant 0 : i32
    %dma_start3A_33 = tpu.memref_slice %arg3[%dma_start3A_32, %add3A_26] : memref<32x16384xf32, #tpu.memory_space<hbm>> -> memref<32x128xf32, #tpu.memory_space<hbm>>
    tpu.enqueue_dma source(%dma_start3A_33 : memref<32x128xf32, #tpu.memory_space<hbm>>) target(%arg7 : memref<32x128xf32, #tpu.memory_space<vmem>>) target_semaphore(%arg12 : memref<!tpu.dma_semaphore, #tpu.memory_space<semaphore_mem>>)
    %dma_wait3A = arith.constant 0 : i32
    %dma_wait3A_34 = tpu.memref_slice %arg2[%dma_wait3A, %add3A_26] : memref<200x16384xi32, #tpu.memory_space<hbm>> -> memref<200x128xi32, #tpu.memory_space<hbm>>
    %dma_wait3A_35 = arith.constant 0 : i32
    %dma_wait3A_36 = tpu.memref_slice %arg2[%dma_wait3A_35, %add3A_26] : memref<200x16384xi32, #tpu.memory_space<hbm>> -> memref<200x128xi32, #tpu.memory_space<hbm>>
    tpu.wait_dma2 semaphore(%arg10 : memref<!tpu.dma_semaphore, #tpu.memory_space<semaphore_mem>>) src(%dma_wait3A_36 : memref<200x128xi32, #tpu.memory_space<hbm>>) dst(%arg5 : memref<200x128xi32, #tpu.memory_space<vmem>>)
    %dma_wait3A_37 = arith.constant 0 : i32
    %dma_wait3A_38 = tpu.memref_slice %arg3[%dma_wait3A_37, %add3A_26] : memref<32x16384xf32, #tpu.memory_space<hbm>> -> memref<32x128xf32, #tpu.memory_space<hbm>>
    %dma_wait3A_39 = arith.constant 0 : i32
    %dma_wait3A_40 = tpu.memref_slice %arg3[%dma_wait3A_39, %add3A_26] : memref<32x16384xf32, #tpu.memory_space<hbm>> -> memref<32x128xf32, #tpu.memory_space<hbm>>
    tpu.wait_dma2 semaphore(%arg12 : memref<!tpu.dma_semaphore, #tpu.memory_space<semaphore_mem>>) src(%dma_wait3A_40 : memref<32x128xf32, #tpu.memory_space<hbm>>) dst(%arg7 : memref<32x128xf32, #tpu.memory_space<vmem>>)
    %add3A_41 = arith.constant 128 : i32
    %add3A_42 = arith.addi %mul3A_24, %add3A_41 : i32
    %dma_start3A_43 = arith.constant 0 : i32
    %dma_start3A_44 = tpu.memref_slice %arg2[%dma_start3A_43, %add3A_42] : memref<200x16384xi32, #tpu.memory_space<hbm>> -> memref<200x128xi32, #tpu.memory_space<hbm>>
    %dma_start3A_45 = arith.constant 0 : i32
    %dma_start3A_46 = tpu.memref_slice %arg2[%dma_start3A_45, %add3A_42] : memref<200x16384xi32, #tpu.memory_space<hbm>> -> memref<200x128xi32, #tpu.memory_space<hbm>>
    tpu.enqueue_dma source(%dma_start3A_46 : memref<200x128xi32, #tpu.memory_space<hbm>>) target(%arg6 : memref<200x128xi32, #tpu.memory_space<vmem>>) target_semaphore(%arg11 : memref<!tpu.dma_semaphore, #tpu.memory_space<semaphore_mem>>)
    %add3A_47 = arith.constant 128 : i32
    %add3A_48 = arith.addi %mul3A_24, %add3A_47 : i32
    %dma_start3A_49 = arith.constant 0 : i32
    %dma_start3A_50 = tpu.memref_slice %arg3[%dma_start3A_49, %add3A_48] : memref<32x16384xf32, #tpu.memory_space<hbm>> -> memref<32x128xf32, #tpu.memory_space<hbm>>
    %dma_start3A_51 = arith.constant 0 : i32
    %dma_start3A_52 = tpu.memref_slice %arg3[%dma_start3A_51, %add3A_48] : memref<32x16384xf32, #tpu.memory_space<hbm>> -> memref<32x128xf32, #tpu.memory_space<hbm>>
    tpu.enqueue_dma source(%dma_start3A_52 : memref<32x128xf32, #tpu.memory_space<hbm>>) target(%arg8 : memref<32x128xf32, #tpu.memory_space<vmem>>) target_semaphore(%arg13 : memref<!tpu.dma_semaphore, #tpu.memory_space<semaphore_mem>>)
    %scan3A = arith.constant 0 : i32
    %scan3A_53 = arith.constant 0 : i32
    %scan3A_54 = arith.constant 4 : i32
    %scan3A_55 = arith.addi %scan3A_53, %scan3A_54 : i32
    %scan3A_56 = arith.constant 1 : i32
    %scan3A_57 = scf.for %scan3A_131 = %scan3A_53 to %scan3A_55 step %scan3A_56 iter_args(%scan3A_132 = %scan3A) -> (i32)  : i32 {
      %mul3A_133 = arith.constant 2 : i32
      %mul3A_134 = arith.muli %mul3A_133, %scan3A_131 : i32
      %mul3A_135 = arith.constant 2 : i32
      %mul3A_136 = arith.muli %mul3A_135, %scan3A_131 : i32
      %add3A_137 = arith.constant 1 : i32
      %add3A_138 = arith.addi %mul3A_136, %add3A_137 : i32
      %mul3A_139 = arith.constant 16 : i32
      %mul3A_140 = arith.muli %mul3A_134, %mul3A_139 : i32
      %mul3A_141 = arith.constant 16 : i32
      %mul3A_142 = arith.muli %add3A_138, %mul3A_141 : i32
      %get3A = arith.constant 199 : i32
      %get3A_143 = arith.index_cast %get3A : i32 to index
      %get3A_144 = arith.index_cast %mul3A_140 : i32 to index
      %get3A_145 = tpu.vector_load %arg5[%get3A_143, %get3A_144] {strides = array<i32>} : memref<200x128xi32, #tpu.memory_space<vmem>>, vector<16xi32>,
      %get3A_146 = arith.constant 199 : i32
      %get3A_147 = arith.index_cast %get3A_146 : i32 to index
      %get3A_148 = arith.index_cast %mul3A_142 : i32 to index
      %get3A_149 = tpu.vector_load %arg5[%get3A_147, %get3A_148] {strides = array<i32>} : memref<200x128xi32, #tpu.memory_space<vmem>>, vector<16xi32>,
      %broadcast_in_dim3A_150 = arith.constant 0 : i32
      %broadcast_in_dim3A_151 = vector.broadcast %broadcast_in_dim3A_150 : i32 to vector<16xi32>
      %broadcast_in_dim3A_152 = arith.constant -1 : i32
      %broadcast_in_dim3A_153 = vector.broadcast %broadcast_in_dim3A_152 : i32 to vector<16xi32>
      %broadcast_in_dim3A_154 = arith.constant -1 : i32
      %broadcast_in_dim3A_155 = vector.broadcast %broadcast_in_dim3A_154 : i32 to vector<16xi32>
      %scan3A_156 = arith.constant 0 : i32
      %scan3A_157 = arith.constant 50 : i32
      %scan3A_158 = arith.addi %scan3A_156, %scan3A_157 : i32
      %scan3A_159 = arith.constant 1 : i32
      %scan3A_160:6 = scf.for %scan3A_320 = %scan3A_156 to %scan3A_158 step %scan3A_159 iter_args(%scan3A_321 = %broadcast_in_dim3A_151, %scan3A_322 = %broadcast_in_dim3A_153, %scan3A_323 = %broadcast_in_dim3A_151, %scan3A_324 = %broadcast_in_dim3A_151, %scan3A_325 = %broadcast_in_dim3A_155, %scan3A_326 = %broadcast_in_dim3A_151) -> (vector<16xi32>, vector<16xi32>, vector<16xi32>, vector<16xi32>, vector<16xi32>, vector<16xi32>)  : i32 {
        %mul3A_327 = arith.constant 4 : i32
        %mul3A_328 = arith.muli %scan3A_320, %mul3A_327 : i32
        %add3A_329 = arith.constant 0 : i32
        %add3A_330 = arith.addi %mul3A_328, %add3A_329 : i32
        %get3A_331 = arith.index_cast %add3A_330 : i32 to index
        %get3A_332 = arith.index_cast %mul3A_140 : i32 to index
        %get3A_333 = tpu.vector_load %arg5[%get3A_331, %get3A_332] {strides = array<i32>} : memref<200x128xi32, #tpu.memory_space<vmem>>, vector<16xi32>,
        %gather3A = tpu.vector_load_idx %arg9[%get3A_333] : memref<32xi32, #tpu.memory_space<vmem>>[vector<16xi32>], vector<16xi32>,
        %add3A_334 = arith.addi %scan3A_321, %gather3A : vector<16xi32>
        %max3A = arith.constant 0 : i32
        %max3A_335 = vector.broadcast %max3A : i32 to vector<16xi32>
        %max3A_336 = arith.maxsi %add3A_334, %max3A_335 : vector<16xi32>
        %eq3A_337 = arith.cmpi eq, %scan3A_322, %get3A_145 : vector<16xi32>
        %eq3A_338 = arith.constant 14 : i32
        %eq3A_339 = vector.broadcast %eq3A_338 : i32 to vector<16xi32>
        %eq3A_340 = arith.cmpi eq, %get3A_333, %eq3A_339 : vector<16xi32>
        %and3A_341 = arith.andi %eq3A_337, %eq3A_340 : vector<16xi1>
        %jit3A_342 = arith.constant 1 : i32
        %broadcast_in_dim3A_343 = vector.broadcast %jit3A_342 : i32 to vector<16xi32>
        %select_n3A_344 = arith.select %and3A_341, %broadcast_in_dim3A_343, %scan3A_323 : vector<16xi1>, vector<16xi32>
        %get3A_345 = arith.index_cast %add3A_330 : i32 to index
        %get3A_346 = arith.index_cast %mul3A_142 : i32 to index
        %get3A_347 = tpu.vector_load %arg5[%get3A_345, %get3A_346] {strides = array<i32>} : memref<200x128xi32, #tpu.memory_space<vmem>>, vector<16xi32>,
        %gather3A_348 = tpu.vector_load_idx %arg9[%get3A_347] : memref<32xi32, #tpu.memory_space<vmem>>[vector<16xi32>], vector<16xi32>,
        %add3A_349 = arith.addi %scan3A_324, %gather3A_348 : vector<16xi32>
        %max3A_350 = arith.constant 0 : i32
        %max3A_351 = vector.broadcast %max3A_350 : i32 to vector<16xi32>
        %max3A_352 = arith.maxsi %add3A_349, %max3A_351 : vector<16xi32>
        %eq3A_353 = arith.cmpi eq, %scan3A_325, %get3A_149 : vector<16xi32>
        %eq3A_354 = arith.constant 14 : i32
        %eq3A_355 = vector.broadcast %eq3A_354 : i32 to vector<16xi32>
        %eq3A_356 = arith.cmpi eq, %get3A_347, %eq3A_355 : vector<16xi32>
        %and3A_357 = arith.andi %eq3A_353, %eq3A_356 : vector<16xi1>
        %jit3A_358 = arith.constant 1 : i32
        %broadcast_in_dim3A_359 = vector.broadcast %jit3A_358 : i32 to vector<16xi32>
        %select_n3A_360 = arith.select %and3A_357, %broadcast_in_dim3A_359, %scan3A_326 : vector<16xi1>, vector<16xi32>
        %mul3A_361 = arith.constant 4 : i32
        %mul3A_362 = arith.muli %scan3A_320, %mul3A_361 : i32
        %add3A_363 = arith.constant 1 : i32
        %add3A_364 = arith.addi %mul3A_362, %add3A_363 : i32
        %get3A_365 = arith.index_cast %add3A_364 : i32 to index
        %get3A_366 = arith.index_cast %mul3A_140 : i32 to index
        %get3A_367 = tpu.vector_load %arg5[%get3A_365, %get3A_366] {strides = array<i32>} : memref<200x128xi32, #tpu.memory_space<vmem>>, vector<16xi32>,
        %gather3A_368 = tpu.vector_load_idx %arg9[%get3A_367] : memref<32xi32, #tpu.memory_space<vmem>>[vector<16xi32>], vector<16xi32>,
        %add3A_369 = arith.addi %max3A_336, %gather3A_368 : vector<16xi32>
        %max3A_370 = arith.constant 0 : i32
        %max3A_371 = vector.broadcast %max3A_370 : i32 to vector<16xi32>
        %max3A_372 = arith.maxsi %add3A_369, %max3A_371 : vector<16xi32>
        %eq3A_373 = arith.cmpi eq, %get3A_333, %get3A_145 : vector<16xi32>
        %eq3A_374 = arith.constant 14 : i32
        %eq3A_375 = vector.broadcast %eq3A_374 : i32 to vector<16xi32>
        %eq3A_376 = arith.cmpi eq, %get3A_367, %eq3A_375 : vector<16xi32>
        %and3A_377 = arith.andi %eq3A_373, %eq3A_376 : vector<16xi1>
        %jit3A_378 = arith.constant 1 : i32
        %broadcast_in_dim3A_379 = vector.broadcast %jit3A_378 : i32 to vector<16xi32>
        %select_n3A_380 = arith.select %and3A_377, %broadcast_in_dim3A_379, %select_n3A_344 : vector<16xi1>, vector<16xi32>
        %get3A_381 = arith.index_cast %add3A_364 : i32 to index
        %get3A_382 = arith.index_cast %mul3A_142 : i32 to index
        %get3A_383 = tpu.vector_load %arg5[%get3A_381, %get3A_382] {strides = array<i32>} : memref<200x128xi32, #tpu.memory_space<vmem>>, vector<16xi32>,
        %gather3A_384 = tpu.vector_load_idx %arg9[%get3A_383] : memref<32xi32, #tpu.memory_space<vmem>>[vector<16xi32>], vector<16xi32>,
        %add3A_385 = arith.addi %max3A_352, %gather3A_384 : vector<16xi32>
        %max3A_386 = arith.constant 0 : i32
        %max3A_387 = vector.broadcast %max3A_386 : i32 to vector<16xi32>
        %max3A_388 = arith.maxsi %add3A_385, %max3A_387 : vector<16xi32>
        %eq3A_389 = arith.cmpi eq, %get3A_347, %get3A_149 : vector<16xi32>
        %eq3A_390 = arith.constant 14 : i32
        %eq3A_391 = vector.broadcast %eq3A_390 : i32 to vector<16xi32>
        %eq3A_392 = arith.cmpi eq, %get3A_383, %eq3A_391 : vector<16xi32>
        %and3A_393 = arith.andi %eq3A_389, %eq3A_392 : vector<16xi1>
        %jit3A_394 = arith.constant 1 : i32
        %broadcast_in_dim3A_395 = vector.broadcast %jit3A_394 : i32 to vector<16xi32>
        %select_n3A_396 = arith.select %and3A_393, %broadcast_in_dim3A_395, %select_n3A_360 : vector<16xi1>, vector<16xi32>
        %mul3A_397 = arith.constant 4 : i32
        %mul3A_398 = arith.muli %scan3A_320, %mul3A_397 : i32
        %add3A_399 = arith.constant 2 : i32
        %add3A_400 = arith.addi %mul3A_398, %add3A_399 : i32
        %get3A_401 = arith.index_cast %add3A_400 : i32 to index
        %get3A_402 = arith.index_cast %mul3A_140 : i32 to index
        %get3A_403 = tpu.vector_load %arg5[%get3A_401, %get3A_402] {strides = array<i32>} : memref<200x128xi32, #tpu.memory_space<vmem>>, vector<16xi32>,
        %gather3A_404 = tpu.vector_load_idx %arg9[%get3A_403] : memref<32xi32, #tpu.memory_space<vmem>>[vector<16xi32>], vector<16xi32>,
        %add3A_405 = arith.addi %max3A_372, %gather3A_404 : vector<16xi32>
        %max3A_406 = arith.constant 0 : i32
        %max3A_407 = vector.broadcast %max3A_406 : i32 to vector<16xi32>
        %max3A_408 = arith.maxsi %add3A_405, %max3A_407 : vector<16xi32>
        %eq3A_409 = arith.cmpi eq, %get3A_367, %get3A_145 : vector<16xi32>
        %eq3A_410 = arith.constant 14 : i32
        %eq3A_411 = vector.broadcast %eq3A_410 : i32 to vector<16xi32>
        %eq3A_412 = arith.cmpi eq, %get3A_403, %eq3A_411 : vector<16xi32>
        %and3A_413 = arith.andi %eq3A_409, %eq3A_412 : vector<16xi1>
        %jit3A_414 = arith.constant 1 : i32
        %broadcast_in_dim3A_415 = vector.broadcast %jit3A_414 : i32 to vector<16xi32>
        %select_n3A_416 = arith.select %and3A_413, %broadcast_in_dim3A_415, %select_n3A_380 : vector<16xi1>, vector<16xi32>
        %get3A_417 = arith.index_cast %add3A_400 : i32 to index
        %get3A_418 = arith.index_cast %mul3A_142 : i32 to index
        %get3A_419 = tpu.vector_load %arg5[%get3A_417, %get3A_418] {strides = array<i32>} : memref<200x128xi32, #tpu.memory_space<vmem>>, vector<16xi32>,
        %gather3A_420 = tpu.vector_load_idx %arg9[%get3A_419] : memref<32xi32, #tpu.memory_space<vmem>>[vector<16xi32>], vector<16xi32>,
        %add3A_421 = arith.addi %max3A_388, %gather3A_420 : vector<16xi32>
        %max3A_422 = arith.constant 0 : i32
        %max3A_423 = vector.broadcast %max3A_422 : i32 to vector<16xi32>
        %max3A_424 = arith.maxsi %add3A_421, %max3A_423 : vector<16xi32>
        %eq3A_425 = arith.cmpi eq, %get3A_383, %get3A_149 : vector<16xi32>
        %eq3A_426 = arith.constant 14 : i32
        %eq3A_427 = vector.broadcast %eq3A_426 : i32 to vector<16xi32>
        %eq3A_428 = arith.cmpi eq, %get3A_419, %eq3A_427 : vector<16xi32>
        %and3A_429 = arith.andi %eq3A_425, %eq3A_428 : vector<16xi1>
        %jit3A_430 = arith.constant 1 : i32
        %broadcast_in_dim3A_431 = vector.broadcast %jit3A_430 : i32 to vector<16xi32>
        %select_n3A_432 = arith.select %and3A_429, %broadcast_in_dim3A_431, %select_n3A_396 : vector<16xi1>, vector<16xi32>
        %mul3A_433 = arith.constant 4 : i32
        %mul3A_434 = arith.muli %scan3A_320, %mul3A_433 : i32
        %add3A_435 = arith.constant 3 : i32
        %add3A_436 = arith.addi %mul3A_434, %add3A_435 : i32
        %get3A_437 = arith.index_cast %add3A_436 : i32 to index
        %get3A_438 = arith.index_cast %mul3A_140 : i32 to index
        %get3A_439 = tpu.vector_load %arg5[%get3A_437, %get3A_438] {strides = array<i32>} : memref<200x128xi32, #tpu.memory_space<vmem>>, vector<16xi32>,
        %gather3A_440 = tpu.vector_load_idx %arg9[%get3A_439] : memref<32xi32, #tpu.memory_space<vmem>>[vector<16xi32>], vector<16xi32>,
        %add3A_441 = arith.addi %max3A_408, %gather3A_440 : vector<16xi32>
        %max3A_442 = arith.constant 0 : i32
        %max3A_443 = vector.broadcast %max3A_442 : i32 to vector<16xi32>
        %max3A_444 = arith.maxsi %add3A_441, %max3A_443 : vector<16xi32>
        %eq3A_445 = arith.cmpi eq, %get3A_403, %get3A_145 : vector<16xi32>
        %eq3A_446 = arith.constant 14 : i32
        %eq3A_447 = vector.broadcast %eq3A_446 : i32 to vector<16xi32>
        %eq3A_448 = arith.cmpi eq, %get3A_439, %eq3A_447 : vector<16xi32>
        %and3A_449 = arith.andi %eq3A_445, %eq3A_448 : vector<16xi1>
        %jit3A_450 = arith.constant 1 : i32
        %broadcast_in_dim3A_451 = vector.broadcast %jit3A_450 : i32 to vector<16xi32>
        %select_n3A_452 = arith.select %and3A_449, %broadcast_in_dim3A_451, %select_n3A_416 : vector<16xi1>, vector<16xi32>
        %get3A_453 = arith.index_cast %add3A_436 : i32 to index
        %get3A_454 = arith.index_cast %mul3A_142 : i32 to index
        %get3A_455 = tpu.vector_load %arg5[%get3A_453, %get3A_454] {strides = array<i32>} : memref<200x128xi32, #tpu.memory_space<vmem>>, vector<16xi32>,
        %gather3A_456 = tpu.vector_load_idx %arg9[%get3A_455] : memref<32xi32, #tpu.memory_space<vmem>>[vector<16xi32>], vector<16xi32>,
        %add3A_457 = arith.addi %max3A_424, %gather3A_456 : vector<16xi32>
        %max3A_458 = arith.constant 0 : i32
        %max3A_459 = vector.broadcast %max3A_458 : i32 to vector<16xi32>
        %max3A_460 = arith.maxsi %add3A_457, %max3A_459 : vector<16xi32>
        %eq3A_461 = arith.cmpi eq, %get3A_419, %get3A_149 : vector<16xi32>
        %eq3A_462 = arith.constant 14 : i32
        %eq3A_463 = vector.broadcast %eq3A_462 : i32 to vector<16xi32>
        %eq3A_464 = arith.cmpi eq, %get3A_455, %eq3A_463 : vector<16xi32>
        %and3A_465 = arith.andi %eq3A_461, %eq3A_464 : vector<16xi1>
        %jit3A_466 = arith.constant 1 : i32
        %broadcast_in_dim3A_467 = vector.broadcast %jit3A_466 : i32 to vector<16xi32>
        %select_n3A_468 = arith.select %and3A_465, %broadcast_in_dim3A_467, %select_n3A_432 : vector<16xi1>, vector<16xi32>
        scf.yield %max3A_444, %get3A_439, %select_n3A_452, %max3A_460, %get3A_455, %select_n3A_468 : vector<16xi32>, vector<16xi32>, vector<16xi32>, vector<16xi32>, vector<16xi32>, vector<16xi32>
      }
      %scan3A_161 = arith.constant 50 : i32
      %get3A_162 = arith.constant 197 : i32
      %get3A_163 = arith.index_cast %get3A_162 : i32 to index
      %get3A_164 = arith.index_cast %mul3A_140 : i32 to index
      %get3A_165 = tpu.vector_load %arg5[%get3A_163, %get3A_164] {strides = array<i32>} : memref<200x128xi32, #tpu.memory_space<vmem>>, vector<16xi32>,
      %get3A_166 = arith.constant 197 : i32
      %get3A_167 = arith.index_cast %get3A_166 : i32 to index
      %get3A_168 = arith.index_cast %mul3A_142 : i32 to index
      %get3A_169 = tpu.vector_load %arg5[%get3A_167, %get3A_168] {strides = array<i32>} : memref<200x128xi32, #tpu.memory_space<vmem>>, vector<16xi32>,
      %get3A_170 = arith.constant 198 : i32
      %get3A_171 = arith.index_cast %get3A_170 : i32 to index
      %get3A_172 = arith.index_cast %mul3A_140 : i32 to index
      %get3A_173 = tpu.vector_load %arg5[%get3A_171, %get3A_172] {strides = array<i32>} : memref<200x128xi32, #tpu.memory_space<vmem>>, vector<16xi32>,
      %get3A_174 = arith.constant 198 : i32
      %get3A_175 = arith.index_cast %get3A_174 : i32 to index
      %get3A_176 = arith.index_cast %mul3A_142 : i32 to index
      %get3A_177 = tpu.vector_load %arg5[%get3A_175, %get3A_176] {strides = array<i32>} : memref<200x128xi32, #tpu.memory_space<vmem>>, vector<16xi32>,
      %broadcast_in_dim3A_178 = arith.constant -1.000000e+09 : f32
      %broadcast_in_dim3A_179 = vector.broadcast %broadcast_in_dim3A_178 : f32 to vector<16xf32>
      %gt3A = arith.constant 0 : i32
      %gt3A_180 = vector.broadcast %gt3A : i32 to vector<16xi32>
      %gt3A_181 = arith.cmpi sgt, %scan3A_160#0, %gt3A_180 : vector<16xi32>
      %gt3A_182 = arith.constant 0 : i32
      %gt3A_183 = vector.broadcast %gt3A_182 : i32 to vector<16xi32>
      %gt3A_184 = arith.cmpi sgt, %scan3A_160#2, %gt3A_183 : vector<16xi32>
      %ge3A = arith.constant 15 : i32
      %ge3A_185 = vector.broadcast %ge3A : i32 to vector<16xi32>
      %ge3A_186 = arith.cmpi sge, %get3A_145, %ge3A_185 : vector<16xi32>
      %and3A = arith.andi %gt3A_184, %ge3A_186 : vector<16xi1>
      %le3A = arith.constant 24 : i32
      %le3A_187 = vector.broadcast %le3A : i32 to vector<16xi32>
      %le3A_188 = arith.cmpi sle, %get3A_145, %le3A_187 : vector<16xi32>
      %and3A_189 = arith.andi %and3A, %le3A_188 : vector<16xi1>
      %eq3A_190 = arith.constant 10 : i32
      %eq3A_191 = vector.broadcast %eq3A_190 : i32 to vector<16xi32>
      %eq3A_192 = arith.cmpi eq, %get3A_165, %eq3A_191 : vector<16xi32>
      %eq3A_193 = arith.constant 11 : i32
      %eq3A_194 = vector.broadcast %eq3A_193 : i32 to vector<16xi32>
      %eq3A_195 = arith.cmpi eq, %get3A_165, %eq3A_194 : vector<16xi32>
      %or3A = arith.ori %eq3A_192, %eq3A_195 : vector<16xi1>
      %convert_element_type3A = arith.extui %or3A : vector<16xi1> to vector<16xi32>
      %eq3A_196 = arith.constant 10 : i32
      %eq3A_197 = vector.broadcast %eq3A_196 : i32 to vector<16xi32>
      %eq3A_198 = arith.cmpi eq, %get3A_173, %eq3A_197 : vector<16xi32>
      %eq3A_199 = arith.constant 11 : i32
      %eq3A_200 = vector.broadcast %eq3A_199 : i32 to vector<16xi32>
      %eq3A_201 = arith.cmpi eq, %get3A_173, %eq3A_200 : vector<16xi32>
      %or3A_202 = arith.ori %eq3A_198, %eq3A_201 : vector<16xi1>
      %convert_element_type3A_203 = arith.extui %or3A_202 : vector<16xi1> to vector<16xi32>
      %add3A_204 = arith.addi %convert_element_type3A, %convert_element_type3A_203 : vector<16xi32>
      %eq3A_205 = arith.constant 10 : i32
      %eq3A_206 = vector.broadcast %eq3A_205 : i32 to vector<16xi32>
      %eq3A_207 = arith.cmpi eq, %get3A_145, %eq3A_206 : vector<16xi32>
      %eq3A_208 = arith.constant 11 : i32
      %eq3A_209 = vector.broadcast %eq3A_208 : i32 to vector<16xi32>
      %eq3A_210 = arith.cmpi eq, %get3A_145, %eq3A_209 : vector<16xi32>
      %or3A_211 = arith.ori %eq3A_207, %eq3A_210 : vector<16xi1>
      %convert_element_type3A_212 = arith.extui %or3A_211 : vector<16xi1> to vector<16xi32>
      %add3A_213 = arith.addi %add3A_204, %convert_element_type3A_212 : vector<16xi32>
      %eq3A_214 = arith.constant 0 : i32
      %eq3A_215 = vector.broadcast %eq3A_214 : i32 to vector<16xi32>
      %eq3A_216 = arith.cmpi eq, %get3A_145, %eq3A_215 : vector<16xi32>
      %eq3A_217 = arith.constant 1 : i32
      %eq3A_218 = vector.broadcast %eq3A_217 : i32 to vector<16xi32>
      %eq3A_219 = arith.cmpi eq, %get3A_145, %eq3A_218 : vector<16xi32>
      %eq3A_220 = arith.constant 2 : i32
      %eq3A_221 = vector.broadcast %eq3A_220 : i32 to vector<16xi32>
      %eq3A_222 = arith.cmpi eq, %get3A_145, %eq3A_221 : vector<16xi32>
      %jit3A = arith.constant 3 : i32
      %jit3A_223 = arith.constant 99 : i32
      %broadcast_in_dim3A_224 = vector.broadcast %jit3A : i32 to vector<16xi32>
      %broadcast_in_dim3A_225 = vector.broadcast %jit3A_223 : i32 to vector<16xi32>
      %select_n3A_226 = arith.select %eq3A_222, %broadcast_in_dim3A_224, %broadcast_in_dim3A_225 : vector<16xi1>, vector<16xi32>
      %jit3A_227 = arith.constant 2 : i32
      %broadcast_in_dim3A_228 = vector.broadcast %jit3A_227 : i32 to vector<16xi32>
      %select_n3A_229 = arith.select %eq3A_219, %broadcast_in_dim3A_228, %select_n3A_226 : vector<16xi1>, vector<16xi32>
      %jit3A_230 = arith.constant 4 : i32
      %broadcast_in_dim3A_231 = vector.broadcast %jit3A_230 : i32 to vector<16xi32>
      %select_n3A_232 = arith.select %eq3A_216, %broadcast_in_dim3A_231, %select_n3A_229 : vector<16xi1>, vector<16xi32>
      %le3A_233 = arith.constant 2 : i32
      %le3A_234 = vector.broadcast %le3A_233 : i32 to vector<16xi32>
      %le3A_235 = arith.cmpi sle, %get3A_145, %le3A_234 : vector<16xi32>
      %ge3A_236 = arith.cmpi sge, %add3A_213, %select_n3A_232 : vector<16xi32>
      %and3A_237 = arith.andi %le3A_235, %ge3A_236 : vector<16xi1>
      %add3A_238 = vector.broadcast %mul3A_140 : i32 to vector<16xi32>
      %add3A_239 = arith.addi %add3A_238, %iota3A : vector<16xi32>
      %broadcast_in_dim3A_240 = arith.constant 25 : i32
      %broadcast_in_dim3A_241 = vector.broadcast %broadcast_in_dim3A_240 : i32 to vector<16xi32>
      tpu.vector_store_idx %arg7[%broadcast_in_dim3A_241, %add3A_239], %broadcast_in_dim3A_179 masked %gt3A_181 {add = true} : memref<32x128xf32, #tpu.memory_space<vmem>>[vector<16xi32>, vector<16xi32>], vector<16xf32>, vector<16xi1>
      tpu.vector_store_idx %arg7[%get3A_145, %add3A_239], %broadcast_in_dim3A_179 masked %and3A_189 {add = true} : memref<32x128xf32, #tpu.memory_space<vmem>>[vector<16xi32>, vector<16xi32>], vector<16xf32>, vector<16xi1>
      %broadcast_in_dim3A_242 = arith.constant 10 : i32
      %broadcast_in_dim3A_243 = vector.broadcast %broadcast_in_dim3A_242 : i32 to vector<16xi32>
      tpu.vector_store_idx %arg7[%broadcast_in_dim3A_243, %add3A_239], %broadcast_in_dim3A_179 masked %and3A_237 {add = true} : memref<32x128xf32, #tpu.memory_space<vmem>>[vector<16xi32>, vector<16xi32>], vector<16xf32>, vector<16xi1>
      %broadcast_in_dim3A_244 = arith.constant 11 : i32
      %broadcast_in_dim3A_245 = vector.broadcast %broadcast_in_dim3A_244 : i32 to vector<16xi32>
      tpu.vector_store_idx %arg7[%broadcast_in_dim3A_245, %add3A_239], %broadcast_in_dim3A_179 masked %and3A_237 {add = true} : memref<32x128xf32, #tpu.memory_space<vmem>>[vector<16xi32>, vector<16xi32>], vector<16xf32>, vector<16xi1>
      %gt3A_246 = arith.constant 0 : i32
      %gt3A_247 = vector.broadcast %gt3A_246 : i32 to vector<16xi32>
      %gt3A_248 = arith.cmpi sgt, %scan3A_160#3, %gt3A_247 : vector<16xi32>
      %gt3A_249 = arith.constant 0 : i32
      %gt3A_250 = vector.broadcast %gt3A_249 : i32 to vector<16xi32>
      %gt3A_251 = arith.cmpi sgt, %scan3A_160#5, %gt3A_250 : vector<16xi32>
      %ge3A_252 = arith.constant 15 : i32
      %ge3A_253 = vector.broadcast %ge3A_252 : i32 to vector<16xi32>
      %ge3A_254 = arith.cmpi sge, %get3A_149, %ge3A_253 : vector<16xi32>
      %and3A_255 = arith.andi %gt3A_251, %ge3A_254 : vector<16xi1>
      %le3A_256 = arith.constant 24 : i32
      %le3A_257 = vector.broadcast %le3A_256 : i32 to vector<16xi32>
      %le3A_258 = arith.cmpi sle, %get3A_149, %le3A_257 : vector<16xi32>
      %and3A_259 = arith.andi %and3A_255, %le3A_258 : vector<16xi1>
      %eq3A_260 = arith.constant 10 : i32
      %eq3A_261 = vector.broadcast %eq3A_260 : i32 to vector<16xi32>
      %eq3A_262 = arith.cmpi eq, %get3A_169, %eq3A_261 : vector<16xi32>
      %eq3A_263 = arith.constant 11 : i32
      %eq3A_264 = vector.broadcast %eq3A_263 : i32 to vector<16xi32>
      %eq3A_265 = arith.cmpi eq, %get3A_169, %eq3A_264 : vector<16xi32>
      %or3A_266 = arith.ori %eq3A_262, %eq3A_265 : vector<16xi1>
      %convert_element_type3A_267 = arith.extui %or3A_266 : vector<16xi1> to vector<16xi32>
      %eq3A_268 = arith.constant 10 : i32
      %eq3A_269 = vector.broadcast %eq3A_268 : i32 to vector<16xi32>
      %eq3A_270 = arith.cmpi eq, %get3A_177, %eq3A_269 : vector<16xi32>
      %eq3A_271 = arith.constant 11 : i32
      %eq3A_272 = vector.broadcast %eq3A_271 : i32 to vector<16xi32>
      %eq3A_273 = arith.cmpi eq, %get3A_177, %eq3A_272 : vector<16xi32>
      %or3A_274 = arith.ori %eq3A_270, %eq3A_273 : vector<16xi1>
      %convert_element_type3A_275 = arith.extui %or3A_274 : vector<16xi1> to vector<16xi32>
      %add3A_276 = arith.addi %convert_element_type3A_267, %convert_element_type3A_275 : vector<16xi32>
      %eq3A_277 = arith.constant 10 : i32
      %eq3A_278 = vector.broadcast %eq3A_277 : i32 to vector<16xi32>
      %eq3A_279 = arith.cmpi eq, %get3A_149, %eq3A_278 : vector<16xi32>
      %eq3A_280 = arith.constant 11 : i32
      %eq3A_281 = vector.broadcast %eq3A_280 : i32 to vector<16xi32>
      %eq3A_282 = arith.cmpi eq, %get3A_149, %eq3A_281 : vector<16xi32>
      %or3A_283 = arith.ori %eq3A_279, %eq3A_282 : vector<16xi1>
      %convert_element_type3A_284 = arith.extui %or3A_283 : vector<16xi1> to vector<16xi32>
      %add3A_285 = arith.addi %add3A_276, %convert_element_type3A_284 : vector<16xi32>
      %eq3A_286 = arith.constant 0 : i32
      %eq3A_287 = vector.broadcast %eq3A_286 : i32 to vector<16xi32>
      %eq3A_288 = arith.cmpi eq, %get3A_149, %eq3A_287 : vector<16xi32>
      %eq3A_289 = arith.constant 1 : i32
      %eq3A_290 = vector.broadcast %eq3A_289 : i32 to vector<16xi32>
      %eq3A_291 = arith.cmpi eq, %get3A_149, %eq3A_290 : vector<16xi32>
      %eq3A_292 = arith.constant 2 : i32
      %eq3A_293 = vector.broadcast %eq3A_292 : i32 to vector<16xi32>
      %eq3A_294 = arith.cmpi eq, %get3A_149, %eq3A_293 : vector<16xi32>
      %jit3A_295 = arith.constant 3 : i32
      %jit3A_296 = arith.constant 99 : i32
      %broadcast_in_dim3A_297 = vector.broadcast %jit3A_295 : i32 to vector<16xi32>
      %broadcast_in_dim3A_298 = vector.broadcast %jit3A_296 : i32 to vector<16xi32>
      %select_n3A_299 = arith.select %eq3A_294, %broadcast_in_dim3A_297, %broadcast_in_dim3A_298 : vector<16xi1>, vector<16xi32>
      %jit3A_300 = arith.constant 2 : i32
      %broadcast_in_dim3A_301 = vector.broadcast %jit3A_300 : i32 to vector<16xi32>
      %select_n3A_302 = arith.select %eq3A_291, %broadcast_in_dim3A_301, %select_n3A_299 : vector<16xi1>, vector<16xi32>
      %jit3A_303 = arith.constant 4 : i32
      %broadcast_in_dim3A_304 = vector.broadcast %jit3A_303 : i32 to vector<16xi32>
      %select_n3A_305 = arith.select %eq3A_288, %broadcast_in_dim3A_304, %select_n3A_302 : vector<16xi1>, vector<16xi32>
      %le3A_306 = arith.constant 2 : i32
      %le3A_307 = vector.broadcast %le3A_306 : i32 to vector<16xi32>
      %le3A_308 = arith.cmpi sle, %get3A_149, %le3A_307 : vector<16xi32>
      %ge3A_309 = arith.cmpi sge, %add3A_285, %select_n3A_305 : vector<16xi32>
      %and3A_310 = arith.andi %le3A_308, %ge3A_309 : vector<16xi1>
      %add3A_311 = vector.broadcast %mul3A_142 : i32 to vector<16xi32>
      %add3A_312 = arith.addi %add3A_311, %iota3A : vector<16xi32>
      %broadcast_in_dim3A_313 = arith.constant 25 : i32
      %broadcast_in_dim3A_314 = vector.broadcast %broadcast_in_dim3A_313 : i32 to vector<16xi32>
      tpu.vector_store_idx %arg7[%broadcast_in_dim3A_314, %add3A_312], %broadcast_in_dim3A_179 masked %gt3A_248 {add = true} : memref<32x128xf32, #tpu.memory_space<vmem>>[vector<16xi32>, vector<16xi32>], vector<16xf32>, vector<16xi1>
      tpu.vector_store_idx %arg7[%get3A_149, %add3A_312], %broadcast_in_dim3A_179 masked %and3A_259 {add = true} : memref<32x128xf32, #tpu.memory_space<vmem>>[vector<16xi32>, vector<16xi32>], vector<16xf32>, vector<16xi1>
      %broadcast_in_dim3A_315 = arith.constant 10 : i32
      %broadcast_in_dim3A_316 = vector.broadcast %broadcast_in_dim3A_315 : i32 to vector<16xi32>
      tpu.vector_store_idx %arg7[%broadcast_in_dim3A_316, %add3A_312], %broadcast_in_dim3A_179 masked %and3A_310 {add = true} : memref<32x128xf32, #tpu.memory_space<vmem>>[vector<16xi32>, vector<16xi32>], vector<16xf32>, vector<16xi1>
      %broadcast_in_dim3A_317 = arith.constant 11 : i32
      %broadcast_in_dim3A_318 = vector.broadcast %broadcast_in_dim3A_317 : i32 to vector<16xi32>
      tpu.vector_store_idx %arg7[%broadcast_in_dim3A_318, %add3A_312], %broadcast_in_dim3A_179 masked %and3A_310 {add = true} : memref<32x128xf32, #tpu.memory_space<vmem>>[vector<16xi32>, vector<16xi32>], vector<16xf32>, vector<16xi1>
      %scan3A_319 = arith.constant 0 : i32
      scf.yield %scan3A_319 : i32
    }
    %scan3A_58 = arith.constant 4 : i32
    %add3A_59 = arith.constant 0 : i32
    %add3A_60 = arith.addi %mul3A_24, %add3A_59 : i32
    %dma_start3A_61 = arith.constant 0 : i32
    %dma_start3A_62 = tpu.memref_slice %arg4[%dma_start3A_61, %add3A_60] : memref<32x16384xf32, #tpu.memory_space<hbm>> -> memref<32x128xf32, #tpu.memory_space<hbm>>
    %dma_start3A_63 = arith.constant 0 : i32
    %dma_start3A_64 = tpu.memref_slice %arg4[%dma_start3A_63, %add3A_60] : memref<32x16384xf32, #tpu.memory_space<hbm>> -> memref<32x128xf32, #tpu.memory_space<hbm>>
    tpu.enqueue_dma source(%arg7 : memref<32x128xf32, #tpu.memory_space<vmem>>) target(%dma_start3A_64 : memref<32x128xf32, #tpu.memory_space<hbm>>) target_semaphore(%arg14 : memref<!tpu.dma_semaphore, #tpu.memory_space<semaphore_mem>>)
    %dma_wait3A_65 = arith.constant 0 : i32
    %dma_wait3A_66 = tpu.memref_slice %arg2[%dma_wait3A_65, %add3A_42] : memref<200x16384xi32, #tpu.memory_space<hbm>> -> memref<200x128xi32, #tpu.memory_space<hbm>>
    %dma_wait3A_67 = arith.constant 0 : i32
    %dma_wait3A_68 = tpu.memref_slice %arg2[%dma_wait3A_67, %add3A_42] : memref<200x16384xi32, #tpu.memory_space<hbm>> -> memref<200x128xi32, #tpu.memory_space<hbm>>
    tpu.wait_dma2 semaphore(%arg11 : memref<!tpu.dma_semaphore, #tpu.memory_space<semaphore_mem>>) src(%dma_wait3A_68 : memref<200x128xi32, #tpu.memory_space<hbm>>) dst(%arg6 : memref<200x128xi32, #tpu.memory_space<vmem>>)
    %dma_wait3A_69 = arith.constant 0 : i32
    %dma_wait3A_70 = tpu.memref_slice %arg3[%dma_wait3A_69, %add3A_48] : memref<32x16384xf32, #tpu.memory_space<hbm>> -> memref<32x128xf32, #tpu.memory_space<hbm>>
    %dma_wait3A_71 = arith.constant 0 : i32
    %dma_wait3A_72 = tpu.memref_slice %arg3[%dma_wait3A_71, %add3A_48] : memref<32x16384xf32, #tpu.memory_space<hbm>> -> memref<32x128xf32, #tpu.memory_space<hbm>>
    tpu.wait_dma2 semaphore(%arg13 : memref<!tpu.dma_semaphore, #tpu.memory_space<semaphore_mem>>) src(%dma_wait3A_72 : memref<32x128xf32, #tpu.memory_space<hbm>>) dst(%arg8 : memref<32x128xf32, #tpu.memory_space<vmem>>)
    %dma_wait3A_73 = arith.constant 0 : i32
    %dma_wait3A_74 = tpu.memref_slice %arg4[%dma_wait3A_73, %add3A_60] : memref<32x16384xf32, #tpu.memory_space<hbm>> -> memref<32x128xf32, #tpu.memory_space<hbm>>
    %dma_wait3A_75 = arith.constant 0 : i32
    %dma_wait3A_76 = tpu.memref_slice %arg4[%dma_wait3A_75, %add3A_60] : memref<32x16384xf32, #tpu.memory_space<hbm>> -> memref<32x128xf32, #tpu.memory_space<hbm>>
    tpu.wait_dma2 semaphore(%arg14 : memref<!tpu.dma_semaphore, #tpu.memory_space<semaphore_mem>>) src(%arg7 : memref<32x128xf32, #tpu.memory_space<vmem>>) dst(%dma_wait3A_76 : memref<32x128xf32, #tpu.memory_space<hbm>>)
    %add3A_77 = arith.constant 256 : i32
    %add3A_78 = arith.addi %mul3A_24, %add3A_77 : i32
    %dma_start3A_79 = arith.constant 0 : i32
    %dma_start3A_80 = tpu.memref_slice %arg2[%dma_start3A_79, %add3A_78] : memref<200x16384xi32, #tpu.memory_space<hbm>> -> memref<200x128xi32, #tpu.memory_space<hbm>>
    %dma_start3A_81 = arith.constant 0 : i32
    %dma_start3A_82 = tpu.memref_slice %arg2[%dma_start3A_81, %add3A_78] : memref<200x16384xi32, #tpu.memory_space<hbm>> -> memref<200x128xi32, #tpu.memory_space<hbm>>
    tpu.enqueue_dma source(%dma_start3A_82 : memref<200x128xi32, #tpu.memory_space<hbm>>) target(%arg5 : memref<200x128xi32, #tpu.memory_space<vmem>>) target_semaphore(%arg10 : memref<!tpu.dma_semaphore, #tpu.memory_space<semaphore_mem>>)
    %add3A_83 = arith.constant 256 : i32
    %add3A_84 = arith.addi %mul3A_24, %add3A_83 : i32
    %dma_start3A_85 = arith.constant 0 : i32
    %dma_start3A_86 = tpu.memref_slice %arg3[%dma_start3A_85, %add3A_84] : memref<32x16384xf32, #tpu.memory_space<hbm>> -> memref<32x128xf32, #tpu.memory_space<hbm>>
    %dma_start3A_87 = arith.constant 0 : i32
    %dma_start3A_88 = tpu.memref_slice %arg3[%dma_start3A_87, %add3A_84] : memref<32x16384xf32, #tpu.memory_space<hbm>> -> memref<32x128xf32, #tpu.memory_space<hbm>>
    tpu.enqueue_dma source(%dma_start3A_88 : memref<32x128xf32, #tpu.memory_space<hbm>>) target(%arg7 : memref<32x128xf32, #tpu.memory_space<vmem>>) target_semaphore(%arg12 : memref<!tpu.dma_semaphore, #tpu.memory_space<semaphore_mem>>)
    %scan3A_89 = arith.constant 0 : i32
    %scan3A_90 = arith.constant 0 : i32
    %scan3A_91 = arith.constant 4 : i32
    %scan3A_92 = arith.addi %scan3A_90, %scan3A_91 : i32
    %scan3A_93 = arith.constant 1 : i32
    %scan3A_94 = scf.for %scan3A_131 = %scan3A_90 to %scan3A_92 step %scan3A_93 iter_args(%scan3A_132 = %scan3A_89) -> (i32)  : i32 {
      %mul3A_133 = arith.constant 2 : i32
      %mul3A_134 = arith.muli %mul3A_133, %scan3A_131 : i32
      %mul3A_135 = arith.constant 2 : i32
      %mul3A_136 = arith.muli %mul3A_135, %scan3A_131 : i32
      %add3A_137 = arith.constant 1 : i32
      %add3A_138 = arith.addi %mul3A_136, %add3A_137 : i32
      %mul3A_139 = arith.constant 16 : i32
      %mul3A_140 = arith.muli %mul3A_134, %mul3A_139 : i32
      %mul3A_141 = arith.constant 16 : i32
      %mul3A_142 = arith.muli %add3A_138, %mul3A_141 : i32
      %get3A = arith.constant 199 : i32
      %get3A_143 = arith.index_cast %get3A : i32 to index
      %get3A_144 = arith.index_cast %mul3A_140 : i32 to index
      %get3A_145 = tpu.vector_load %arg6[%get3A_143, %get3A_144] {strides = array<i32>} : memref<200x128xi32, #tpu.memory_space<vmem>>, vector<16xi32>,
      %get3A_146 = arith.constant 199 : i32
      %get3A_147 = arith.index_cast %get3A_146 : i32 to index
      %get3A_148 = arith.index_cast %mul3A_142 : i32 to index
      %get3A_149 = tpu.vector_load %arg6[%get3A_147, %get3A_148] {strides = array<i32>} : memref<200x128xi32, #tpu.memory_space<vmem>>, vector<16xi32>,
      %broadcast_in_dim3A_150 = arith.constant 0 : i32
      %broadcast_in_dim3A_151 = vector.broadcast %broadcast_in_dim3A_150 : i32 to vector<16xi32>
      %broadcast_in_dim3A_152 = arith.constant -1 : i32
      %broadcast_in_dim3A_153 = vector.broadcast %broadcast_in_dim3A_152 : i32 to vector<16xi32>
      %broadcast_in_dim3A_154 = arith.constant -1 : i32
      %broadcast_in_dim3A_155 = vector.broadcast %broadcast_in_dim3A_154 : i32 to vector<16xi32>
      %scan3A_156 = arith.constant 0 : i32
      %scan3A_157 = arith.constant 50 : i32
      %scan3A_158 = arith.addi %scan3A_156, %scan3A_157 : i32
      %scan3A_159 = arith.constant 1 : i32
      %scan3A_160:6 = scf.for %scan3A_320 = %scan3A_156 to %scan3A_158 step %scan3A_159 iter_args(%scan3A_321 = %broadcast_in_dim3A_151, %scan3A_322 = %broadcast_in_dim3A_153, %scan3A_323 = %broadcast_in_dim3A_151, %scan3A_324 = %broadcast_in_dim3A_151, %scan3A_325 = %broadcast_in_dim3A_155, %scan3A_326 = %broadcast_in_dim3A_151) -> (vector<16xi32>, vector<16xi32>, vector<16xi32>, vector<16xi32>, vector<16xi32>, vector<16xi32>)  : i32 {
        %mul3A_327 = arith.constant 4 : i32
        %mul3A_328 = arith.muli %scan3A_320, %mul3A_327 : i32
        %add3A_329 = arith.constant 0 : i32
        %add3A_330 = arith.addi %mul3A_328, %add3A_329 : i32
        %get3A_331 = arith.index_cast %add3A_330 : i32 to index
        %get3A_332 = arith.index_cast %mul3A_140 : i32 to index
        %get3A_333 = tpu.vector_load %arg6[%get3A_331, %get3A_332] {strides = array<i32>} : memref<200x128xi32, #tpu.memory_space<vmem>>, vector<16xi32>,
        %gather3A = tpu.vector_load_idx %arg9[%get3A_333] : memref<32xi32, #tpu.memory_space<vmem>>[vector<16xi32>], vector<16xi32>,
        %add3A_334 = arith.addi %scan3A_321, %gather3A : vector<16xi32>
        %max3A = arith.constant 0 : i32
        %max3A_335 = vector.broadcast %max3A : i32 to vector<16xi32>
        %max3A_336 = arith.maxsi %add3A_334, %max3A_335 : vector<16xi32>
        %eq3A_337 = arith.cmpi eq, %scan3A_322, %get3A_145 : vector<16xi32>
        %eq3A_338 = arith.constant 14 : i32
        %eq3A_339 = vector.broadcast %eq3A_338 : i32 to vector<16xi32>
        %eq3A_340 = arith.cmpi eq, %get3A_333, %eq3A_339 : vector<16xi32>
        %and3A_341 = arith.andi %eq3A_337, %eq3A_340 : vector<16xi1>
        %jit3A_342 = arith.constant 1 : i32
        %broadcast_in_dim3A_343 = vector.broadcast %jit3A_342 : i32 to vector<16xi32>
        %select_n3A_344 = arith.select %and3A_341, %broadcast_in_dim3A_343, %scan3A_323 : vector<16xi1>, vector<16xi32>
        %get3A_345 = arith.index_cast %add3A_330 : i32 to index
        %get3A_346 = arith.index_cast %mul3A_142 : i32 to index
        %get3A_347 = tpu.vector_load %arg6[%get3A_345, %get3A_346] {strides = array<i32>} : memref<200x128xi32, #tpu.memory_space<vmem>>, vector<16xi32>,
        %gather3A_348 = tpu.vector_load_idx %arg9[%get3A_347] : memref<32xi32, #tpu.memory_space<vmem>>[vector<16xi32>], vector<16xi32>,
        %add3A_349 = arith.addi %scan3A_324, %gather3A_348 : vector<16xi32>
        %max3A_350 = arith.constant 0 : i32
        %max3A_351 = vector.broadcast %max3A_350 : i32 to vector<16xi32>
        %max3A_352 = arith.maxsi %add3A_349, %max3A_351 : vector<16xi32>
        %eq3A_353 = arith.cmpi eq, %scan3A_325, %get3A_149 : vector<16xi32>
        %eq3A_354 = arith.constant 14 : i32
        %eq3A_355 = vector.broadcast %eq3A_354 : i32 to vector<16xi32>
        %eq3A_356 = arith.cmpi eq, %get3A_347, %eq3A_355 : vector<16xi32>
        %and3A_357 = arith.andi %eq3A_353, %eq3A_356 : vector<16xi1>
        %jit3A_358 = arith.constant 1 : i32
        %broadcast_in_dim3A_359 = vector.broadcast %jit3A_358 : i32 to vector<16xi32>
        %select_n3A_360 = arith.select %and3A_357, %broadcast_in_dim3A_359, %scan3A_326 : vector<16xi1>, vector<16xi32>
        %mul3A_361 = arith.constant 4 : i32
        %mul3A_362 = arith.muli %scan3A_320, %mul3A_361 : i32
        %add3A_363 = arith.constant 1 : i32
        %add3A_364 = arith.addi %mul3A_362, %add3A_363 : i32
        %get3A_365 = arith.index_cast %add3A_364 : i32 to index
        %get3A_366 = arith.index_cast %mul3A_140 : i32 to index
        %get3A_367 = tpu.vector_load %arg6[%get3A_365, %get3A_366] {strides = array<i32>} : memref<200x128xi32, #tpu.memory_space<vmem>>, vector<16xi32>,
        %gather3A_368 = tpu.vector_load_idx %arg9[%get3A_367] : memref<32xi32, #tpu.memory_space<vmem>>[vector<16xi32>], vector<16xi32>,
        %add3A_369 = arith.addi %max3A_336, %gather3A_368 : vector<16xi32>
        %max3A_370 = arith.constant 0 : i32
        %max3A_371 = vector.broadcast %max3A_370 : i32 to vector<16xi32>
        %max3A_372 = arith.maxsi %add3A_369, %max3A_371 : vector<16xi32>
        %eq3A_373 = arith.cmpi eq, %get3A_333, %get3A_145 : vector<16xi32>
        %eq3A_374 = arith.constant 14 : i32
        %eq3A_375 = vector.broadcast %eq3A_374 : i32 to vector<16xi32>
        %eq3A_376 = arith.cmpi eq, %get3A_367, %eq3A_375 : vector<16xi32>
        %and3A_377 = arith.andi %eq3A_373, %eq3A_376 : vector<16xi1>
        %jit3A_378 = arith.constant 1 : i32
        %broadcast_in_dim3A_379 = vector.broadcast %jit3A_378 : i32 to vector<16xi32>
        %select_n3A_380 = arith.select %and3A_377, %broadcast_in_dim3A_379, %select_n3A_344 : vector<16xi1>, vector<16xi32>
        %get3A_381 = arith.index_cast %add3A_364 : i32 to index
        %get3A_382 = arith.index_cast %mul3A_142 : i32 to index
        %get3A_383 = tpu.vector_load %arg6[%get3A_381, %get3A_382] {strides = array<i32>} : memref<200x128xi32, #tpu.memory_space<vmem>>, vector<16xi32>,
        %gather3A_384 = tpu.vector_load_idx %arg9[%get3A_383] : memref<32xi32, #tpu.memory_space<vmem>>[vector<16xi32>], vector<16xi32>,
        %add3A_385 = arith.addi %max3A_352, %gather3A_384 : vector<16xi32>
        %max3A_386 = arith.constant 0 : i32
        %max3A_387 = vector.broadcast %max3A_386 : i32 to vector<16xi32>
        %max3A_388 = arith.maxsi %add3A_385, %max3A_387 : vector<16xi32>
        %eq3A_389 = arith.cmpi eq, %get3A_347, %get3A_149 : vector<16xi32>
        %eq3A_390 = arith.constant 14 : i32
        %eq3A_391 = vector.broadcast %eq3A_390 : i32 to vector<16xi32>
        %eq3A_392 = arith.cmpi eq, %get3A_383, %eq3A_391 : vector<16xi32>
        %and3A_393 = arith.andi %eq3A_389, %eq3A_392 : vector<16xi1>
        %jit3A_394 = arith.constant 1 : i32
        %broadcast_in_dim3A_395 = vector.broadcast %jit3A_394 : i32 to vector<16xi32>
        %select_n3A_396 = arith.select %and3A_393, %broadcast_in_dim3A_395, %select_n3A_360 : vector<16xi1>, vector<16xi32>
        %mul3A_397 = arith.constant 4 : i32
        %mul3A_398 = arith.muli %scan3A_320, %mul3A_397 : i32
        %add3A_399 = arith.constant 2 : i32
        %add3A_400 = arith.addi %mul3A_398, %add3A_399 : i32
        %get3A_401 = arith.index_cast %add3A_400 : i32 to index
        %get3A_402 = arith.index_cast %mul3A_140 : i32 to index
        %get3A_403 = tpu.vector_load %arg6[%get3A_401, %get3A_402] {strides = array<i32>} : memref<200x128xi32, #tpu.memory_space<vmem>>, vector<16xi32>,
        %gather3A_404 = tpu.vector_load_idx %arg9[%get3A_403] : memref<32xi32, #tpu.memory_space<vmem>>[vector<16xi32>], vector<16xi32>,
        %add3A_405 = arith.addi %max3A_372, %gather3A_404 : vector<16xi32>
        %max3A_406 = arith.constant 0 : i32
        %max3A_407 = vector.broadcast %max3A_406 : i32 to vector<16xi32>
        %max3A_408 = arith.maxsi %add3A_405, %max3A_407 : vector<16xi32>
        %eq3A_409 = arith.cmpi eq, %get3A_367, %get3A_145 : vector<16xi32>
        %eq3A_410 = arith.constant 14 : i32
        %eq3A_411 = vector.broadcast %eq3A_410 : i32 to vector<16xi32>
        %eq3A_412 = arith.cmpi eq, %get3A_403, %eq3A_411 : vector<16xi32>
        %and3A_413 = arith.andi %eq3A_409, %eq3A_412 : vector<16xi1>
        %jit3A_414 = arith.constant 1 : i32
        %broadcast_in_dim3A_415 = vector.broadcast %jit3A_414 : i32 to vector<16xi32>
        %select_n3A_416 = arith.select %and3A_413, %broadcast_in_dim3A_415, %select_n3A_380 : vector<16xi1>, vector<16xi32>
        %get3A_417 = arith.index_cast %add3A_400 : i32 to index
        %get3A_418 = arith.index_cast %mul3A_142 : i32 to index
        %get3A_419 = tpu.vector_load %arg6[%get3A_417, %get3A_418] {strides = array<i32>} : memref<200x128xi32, #tpu.memory_space<vmem>>, vector<16xi32>,
        %gather3A_420 = tpu.vector_load_idx %arg9[%get3A_419] : memref<32xi32, #tpu.memory_space<vmem>>[vector<16xi32>], vector<16xi32>,
        %add3A_421 = arith.addi %max3A_388, %gather3A_420 : vector<16xi32>
        %max3A_422 = arith.constant 0 : i32
        %max3A_423 = vector.broadcast %max3A_422 : i32 to vector<16xi32>
        %max3A_424 = arith.maxsi %add3A_421, %max3A_423 : vector<16xi32>
        %eq3A_425 = arith.cmpi eq, %get3A_383, %get3A_149 : vector<16xi32>
        %eq3A_426 = arith.constant 14 : i32
        %eq3A_427 = vector.broadcast %eq3A_426 : i32 to vector<16xi32>
        %eq3A_428 = arith.cmpi eq, %get3A_419, %eq3A_427 : vector<16xi32>
        %and3A_429 = arith.andi %eq3A_425, %eq3A_428 : vector<16xi1>
        %jit3A_430 = arith.constant 1 : i32
        %broadcast_in_dim3A_431 = vector.broadcast %jit3A_430 : i32 to vector<16xi32>
        %select_n3A_432 = arith.select %and3A_429, %broadcast_in_dim3A_431, %select_n3A_396 : vector<16xi1>, vector<16xi32>
        %mul3A_433 = arith.constant 4 : i32
        %mul3A_434 = arith.muli %scan3A_320, %mul3A_433 : i32
        %add3A_435 = arith.constant 3 : i32
        %add3A_436 = arith.addi %mul3A_434, %add3A_435 : i32
        %get3A_437 = arith.index_cast %add3A_436 : i32 to index
        %get3A_438 = arith.index_cast %mul3A_140 : i32 to index
        %get3A_439 = tpu.vector_load %arg6[%get3A_437, %get3A_438] {strides = array<i32>} : memref<200x128xi32, #tpu.memory_space<vmem>>, vector<16xi32>,
        %gather3A_440 = tpu.vector_load_idx %arg9[%get3A_439] : memref<32xi32, #tpu.memory_space<vmem>>[vector<16xi32>], vector<16xi32>,
        %add3A_441 = arith.addi %max3A_408, %gather3A_440 : vector<16xi32>
        %max3A_442 = arith.constant 0 : i32
        %max3A_443 = vector.broadcast %max3A_442 : i32 to vector<16xi32>
        %max3A_444 = arith.maxsi %add3A_441, %max3A_443 : vector<16xi32>
        %eq3A_445 = arith.cmpi eq, %get3A_403, %get3A_145 : vector<16xi32>
        %eq3A_446 = arith.constant 14 : i32
        %eq3A_447 = vector.broadcast %eq3A_446 : i32 to vector<16xi32>
        %eq3A_448 = arith.cmpi eq, %get3A_439, %eq3A_447 : vector<16xi32>
        %and3A_449 = arith.andi %eq3A_445, %eq3A_448 : vector<16xi1>
        %jit3A_450 = arith.constant 1 : i32
        %broadcast_in_dim3A_451 = vector.broadcast %jit3A_450 : i32 to vector<16xi32>
        %select_n3A_452 = arith.select %and3A_449, %broadcast_in_dim3A_451, %select_n3A_416 : vector<16xi1>, vector<16xi32>
        %get3A_453 = arith.index_cast %add3A_436 : i32 to index
        %get3A_454 = arith.index_cast %mul3A_142 : i32 to index
        %get3A_455 = tpu.vector_load %arg6[%get3A_453, %get3A_454] {strides = array<i32>} : memref<200x128xi32, #tpu.memory_space<vmem>>, vector<16xi32>,
        %gather3A_456 = tpu.vector_load_idx %arg9[%get3A_455] : memref<32xi32, #tpu.memory_space<vmem>>[vector<16xi32>], vector<16xi32>,
        %add3A_457 = arith.addi %max3A_424, %gather3A_456 : vector<16xi32>
        %max3A_458 = arith.constant 0 : i32
        %max3A_459 = vector.broadcast %max3A_458 : i32 to vector<16xi32>
        %max3A_460 = arith.maxsi %add3A_457, %max3A_459 : vector<16xi32>
        %eq3A_461 = arith.cmpi eq, %get3A_419, %get3A_149 : vector<16xi32>
        %eq3A_462 = arith.constant 14 : i32
        %eq3A_463 = vector.broadcast %eq3A_462 : i32 to vector<16xi32>
        %eq3A_464 = arith.cmpi eq, %get3A_455, %eq3A_463 : vector<16xi32>
        %and3A_465 = arith.andi %eq3A_461, %eq3A_464 : vector<16xi1>
        %jit3A_466 = arith.constant 1 : i32
        %broadcast_in_dim3A_467 = vector.broadcast %jit3A_466 : i32 to vector<16xi32>
        %select_n3A_468 = arith.select %and3A_465, %broadcast_in_dim3A_467, %select_n3A_432 : vector<16xi1>, vector<16xi32>
        scf.yield %max3A_444, %get3A_439, %select_n3A_452, %max3A_460, %get3A_455, %select_n3A_468 : vector<16xi32>, vector<16xi32>, vector<16xi32>, vector<16xi32>, vector<16xi32>, vector<16xi32>
      }
      %scan3A_161 = arith.constant 50 : i32
      %get3A_162 = arith.constant 197 : i32
      %get3A_163 = arith.index_cast %get3A_162 : i32 to index
      %get3A_164 = arith.index_cast %mul3A_140 : i32 to index
      %get3A_165 = tpu.vector_load %arg6[%get3A_163, %get3A_164] {strides = array<i32>} : memref<200x128xi32, #tpu.memory_space<vmem>>, vector<16xi32>,
      %get3A_166 = arith.constant 197 : i32
      %get3A_167 = arith.index_cast %get3A_166 : i32 to index
      %get3A_168 = arith.index_cast %mul3A_142 : i32 to index
      %get3A_169 = tpu.vector_load %arg6[%get3A_167, %get3A_168] {strides = array<i32>} : memref<200x128xi32, #tpu.memory_space<vmem>>, vector<16xi32>,
      %get3A_170 = arith.constant 198 : i32
      %get3A_171 = arith.index_cast %get3A_170 : i32 to index
      %get3A_172 = arith.index_cast %mul3A_140 : i32 to index
      %get3A_173 = tpu.vector_load %arg6[%get3A_171, %get3A_172] {strides = array<i32>} : memref<200x128xi32, #tpu.memory_space<vmem>>, vector<16xi32>,
      %get3A_174 = arith.constant 198 : i32
      %get3A_175 = arith.index_cast %get3A_174 : i32 to index
      %get3A_176 = arith.index_cast %mul3A_142 : i32 to index
      %get3A_177 = tpu.vector_load %arg6[%get3A_175, %get3A_176] {strides = array<i32>} : memref<200x128xi32, #tpu.memory_space<vmem>>, vector<16xi32>,
      %broadcast_in_dim3A_178 = arith.constant -1.000000e+09 : f32
      %broadcast_in_dim3A_179 = vector.broadcast %broadcast_in_dim3A_178 : f32 to vector<16xf32>
      %gt3A = arith.constant 0 : i32
      %gt3A_180 = vector.broadcast %gt3A : i32 to vector<16xi32>
      %gt3A_181 = arith.cmpi sgt, %scan3A_160#0, %gt3A_180 : vector<16xi32>
      %gt3A_182 = arith.constant 0 : i32
      %gt3A_183 = vector.broadcast %gt3A_182 : i32 to vector<16xi32>
      %gt3A_184 = arith.cmpi sgt, %scan3A_160#2, %gt3A_183 : vector<16xi32>
      %ge3A = arith.constant 15 : i32
      %ge3A_185 = vector.broadcast %ge3A : i32 to vector<16xi32>
      %ge3A_186 = arith.cmpi sge, %get3A_145, %ge3A_185 : vector<16xi32>
      %and3A = arith.andi %gt3A_184, %ge3A_186 : vector<16xi1>
      %le3A = arith.constant 24 : i32
      %le3A_187 = vector.broadcast %le3A : i32 to vector<16xi32>
      %le3A_188 = arith.cmpi sle, %get3A_145, %le3A_187 : vector<16xi32>
      %and3A_189 = arith.andi %and3A, %le3A_188 : vector<16xi1>
      %eq3A_190 = arith.constant 10 : i32
      %eq3A_191 = vector.broadcast %eq3A_190 : i32 to vector<16xi32>
      %eq3A_192 = arith.cmpi eq, %get3A_165, %eq3A_191 : vector<16xi32>
      %eq3A_193 = arith.constant 11 : i32
      %eq3A_194 = vector.broadcast %eq3A_193 : i32 to vector<16xi32>
      %eq3A_195 = arith.cmpi eq, %get3A_165, %eq3A_194 : vector<16xi32>
      %or3A = arith.ori %eq3A_192, %eq3A_195 : vector<16xi1>
      %convert_element_type3A = arith.extui %or3A : vector<16xi1> to vector<16xi32>
      %eq3A_196 = arith.constant 10 : i32
      %eq3A_197 = vector.broadcast %eq3A_196 : i32 to vector<16xi32>
      %eq3A_198 = arith.cmpi eq, %get3A_173, %eq3A_197 : vector<16xi32>
      %eq3A_199 = arith.constant 11 : i32
      %eq3A_200 = vector.broadcast %eq3A_199 : i32 to vector<16xi32>
      %eq3A_201 = arith.cmpi eq, %get3A_173, %eq3A_200 : vector<16xi32>
      %or3A_202 = arith.ori %eq3A_198, %eq3A_201 : vector<16xi1>
      %convert_element_type3A_203 = arith.extui %or3A_202 : vector<16xi1> to vector<16xi32>
      %add3A_204 = arith.addi %convert_element_type3A, %convert_element_type3A_203 : vector<16xi32>
      %eq3A_205 = arith.constant 10 : i32
      %eq3A_206 = vector.broadcast %eq3A_205 : i32 to vector<16xi32>
      %eq3A_207 = arith.cmpi eq, %get3A_145, %eq3A_206 : vector<16xi32>
      %eq3A_208 = arith.constant 11 : i32
      %eq3A_209 = vector.broadcast %eq3A_208 : i32 to vector<16xi32>
      %eq3A_210 = arith.cmpi eq, %get3A_145, %eq3A_209 : vector<16xi32>
      %or3A_211 = arith.ori %eq3A_207, %eq3A_210 : vector<16xi1>
      %convert_element_type3A_212 = arith.extui %or3A_211 : vector<16xi1> to vector<16xi32>
      %add3A_213 = arith.addi %add3A_204, %convert_element_type3A_212 : vector<16xi32>
      %eq3A_214 = arith.constant 0 : i32
      %eq3A_215 = vector.broadcast %eq3A_214 : i32 to vector<16xi32>
      %eq3A_216 = arith.cmpi eq, %get3A_145, %eq3A_215 : vector<16xi32>
      %eq3A_217 = arith.constant 1 : i32
      %eq3A_218 = vector.broadcast %eq3A_217 : i32 to vector<16xi32>
      %eq3A_219 = arith.cmpi eq, %get3A_145, %eq3A_218 : vector<16xi32>
      %eq3A_220 = arith.constant 2 : i32
      %eq3A_221 = vector.broadcast %eq3A_220 : i32 to vector<16xi32>
      %eq3A_222 = arith.cmpi eq, %get3A_145, %eq3A_221 : vector<16xi32>
      %jit3A = arith.constant 3 : i32
      %jit3A_223 = arith.constant 99 : i32
      %broadcast_in_dim3A_224 = vector.broadcast %jit3A : i32 to vector<16xi32>
      %broadcast_in_dim3A_225 = vector.broadcast %jit3A_223 : i32 to vector<16xi32>
      %select_n3A_226 = arith.select %eq3A_222, %broadcast_in_dim3A_224, %broadcast_in_dim3A_225 : vector<16xi1>, vector<16xi32>
      %jit3A_227 = arith.constant 2 : i32
      %broadcast_in_dim3A_228 = vector.broadcast %jit3A_227 : i32 to vector<16xi32>
      %select_n3A_229 = arith.select %eq3A_219, %broadcast_in_dim3A_228, %select_n3A_226 : vector<16xi1>, vector<16xi32>
      %jit3A_230 = arith.constant 4 : i32
      %broadcast_in_dim3A_231 = vector.broadcast %jit3A_230 : i32 to vector<16xi32>
      %select_n3A_232 = arith.select %eq3A_216, %broadcast_in_dim3A_231, %select_n3A_229 : vector<16xi1>, vector<16xi32>
      %le3A_233 = arith.constant 2 : i32
      %le3A_234 = vector.broadcast %le3A_233 : i32 to vector<16xi32>
      %le3A_235 = arith.cmpi sle, %get3A_145, %le3A_234 : vector<16xi32>
      %ge3A_236 = arith.cmpi sge, %add3A_213, %select_n3A_232 : vector<16xi32>
      %and3A_237 = arith.andi %le3A_235, %ge3A_236 : vector<16xi1>
      %add3A_238 = vector.broadcast %mul3A_140 : i32 to vector<16xi32>
      %add3A_239 = arith.addi %add3A_238, %iota3A : vector<16xi32>
      %broadcast_in_dim3A_240 = arith.constant 25 : i32
      %broadcast_in_dim3A_241 = vector.broadcast %broadcast_in_dim3A_240 : i32 to vector<16xi32>
      tpu.vector_store_idx %arg8[%broadcast_in_dim3A_241, %add3A_239], %broadcast_in_dim3A_179 masked %gt3A_181 {add = true} : memref<32x128xf32, #tpu.memory_space<vmem>>[vector<16xi32>, vector<16xi32>], vector<16xf32>, vector<16xi1>
      tpu.vector_store_idx %arg8[%get3A_145, %add3A_239], %broadcast_in_dim3A_179 masked %and3A_189 {add = true} : memref<32x128xf32, #tpu.memory_space<vmem>>[vector<16xi32>, vector<16xi32>], vector<16xf32>, vector<16xi1>
      %broadcast_in_dim3A_242 = arith.constant 10 : i32
      %broadcast_in_dim3A_243 = vector.broadcast %broadcast_in_dim3A_242 : i32 to vector<16xi32>
      tpu.vector_store_idx %arg8[%broadcast_in_dim3A_243, %add3A_239], %broadcast_in_dim3A_179 masked %and3A_237 {add = true} : memref<32x128xf32, #tpu.memory_space<vmem>>[vector<16xi32>, vector<16xi32>], vector<16xf32>, vector<16xi1>
      %broadcast_in_dim3A_244 = arith.constant 11 : i32
      %broadcast_in_dim3A_245 = vector.broadcast %broadcast_in_dim3A_244 : i32 to vector<16xi32>
      tpu.vector_store_idx %arg8[%broadcast_in_dim3A_245, %add3A_239], %broadcast_in_dim3A_179 masked %and3A_237 {add = true} : memref<32x128xf32, #tpu.memory_space<vmem>>[vector<16xi32>, vector<16xi32>], vector<16xf32>, vector<16xi1>
      %gt3A_246 = arith.constant 0 : i32
      %gt3A_247 = vector.broadcast %gt3A_246 : i32 to vector<16xi32>
      %gt3A_248 = arith.cmpi sgt, %scan3A_160#3, %gt3A_247 : vector<16xi32>
      %gt3A_249 = arith.constant 0 : i32
      %gt3A_250 = vector.broadcast %gt3A_249 : i32 to vector<16xi32>
      %gt3A_251 = arith.cmpi sgt, %scan3A_160#5, %gt3A_250 : vector<16xi32>
      %ge3A_252 = arith.constant 15 : i32
      %ge3A_253 = vector.broadcast %ge3A_252 : i32 to vector<16xi32>
      %ge3A_254 = arith.cmpi sge, %get3A_149, %ge3A_253 : vector<16xi32>
      %and3A_255 = arith.andi %gt3A_251, %ge3A_254 : vector<16xi1>
      %le3A_256 = arith.constant 24 : i32
      %le3A_257 = vector.broadcast %le3A_256 : i32 to vector<16xi32>
      %le3A_258 = arith.cmpi sle, %get3A_149, %le3A_257 : vector<16xi32>
      %and3A_259 = arith.andi %and3A_255, %le3A_258 : vector<16xi1>
      %eq3A_260 = arith.constant 10 : i32
      %eq3A_261 = vector.broadcast %eq3A_260 : i32 to vector<16xi32>
      %eq3A_262 = arith.cmpi eq, %get3A_169, %eq3A_261 : vector<16xi32>
      %eq3A_263 = arith.constant 11 : i32
      %eq3A_264 = vector.broadcast %eq3A_263 : i32 to vector<16xi32>
      %eq3A_265 = arith.cmpi eq, %get3A_169, %eq3A_264 : vector<16xi32>
      %or3A_266 = arith.ori %eq3A_262, %eq3A_265 : vector<16xi1>
      %convert_element_type3A_267 = arith.extui %or3A_266 : vector<16xi1> to vector<16xi32>
      %eq3A_268 = arith.constant 10 : i32
      %eq3A_269 = vector.broadcast %eq3A_268 : i32 to vector<16xi32>
      %eq3A_270 = arith.cmpi eq, %get3A_177, %eq3A_269 : vector<16xi32>
      %eq3A_271 = arith.constant 11 : i32
      %eq3A_272 = vector.broadcast %eq3A_271 : i32 to vector<16xi32>
      %eq3A_273 = arith.cmpi eq, %get3A_177, %eq3A_272 : vector<16xi32>
      %or3A_274 = arith.ori %eq3A_270, %eq3A_273 : vector<16xi1>
      %convert_element_type3A_275 = arith.extui %or3A_274 : vector<16xi1> to vector<16xi32>
      %add3A_276 = arith.addi %convert_element_type3A_267, %convert_element_type3A_275 : vector<16xi32>
      %eq3A_277 = arith.constant 10 : i32
      %eq3A_278 = vector.broadcast %eq3A_277 : i32 to vector<16xi32>
      %eq3A_279 = arith.cmpi eq, %get3A_149, %eq3A_278 : vector<16xi32>
      %eq3A_280 = arith.constant 11 : i32
      %eq3A_281 = vector.broadcast %eq3A_280 : i32 to vector<16xi32>
      %eq3A_282 = arith.cmpi eq, %get3A_149, %eq3A_281 : vector<16xi32>
      %or3A_283 = arith.ori %eq3A_279, %eq3A_282 : vector<16xi1>
      %convert_element_type3A_284 = arith.extui %or3A_283 : vector<16xi1> to vector<16xi32>
      %add3A_285 = arith.addi %add3A_276, %convert_element_type3A_284 : vector<16xi32>
      %eq3A_286 = arith.constant 0 : i32
      %eq3A_287 = vector.broadcast %eq3A_286 : i32 to vector<16xi32>
      %eq3A_288 = arith.cmpi eq, %get3A_149, %eq3A_287 : vector<16xi32>
      %eq3A_289 = arith.constant 1 : i32
      %eq3A_290 = vector.broadcast %eq3A_289 : i32 to vector<16xi32>
      %eq3A_291 = arith.cmpi eq, %get3A_149, %eq3A_290 : vector<16xi32>
      %eq3A_292 = arith.constant 2 : i32
      %eq3A_293 = vector.broadcast %eq3A_292 : i32 to vector<16xi32>
      %eq3A_294 = arith.cmpi eq, %get3A_149, %eq3A_293 : vector<16xi32>
      %jit3A_295 = arith.constant 3 : i32
      %jit3A_296 = arith.constant 99 : i32
      %broadcast_in_dim3A_297 = vector.broadcast %jit3A_295 : i32 to vector<16xi32>
      %broadcast_in_dim3A_298 = vector.broadcast %jit3A_296 : i32 to vector<16xi32>
      %select_n3A_299 = arith.select %eq3A_294, %broadcast_in_dim3A_297, %broadcast_in_dim3A_298 : vector<16xi1>, vector<16xi32>
      %jit3A_300 = arith.constant 2 : i32
      %broadcast_in_dim3A_301 = vector.broadcast %jit3A_300 : i32 to vector<16xi32>
      %select_n3A_302 = arith.select %eq3A_291, %broadcast_in_dim3A_301, %select_n3A_299 : vector<16xi1>, vector<16xi32>
      %jit3A_303 = arith.constant 4 : i32
      %broadcast_in_dim3A_304 = vector.broadcast %jit3A_303 : i32 to vector<16xi32>
      %select_n3A_305 = arith.select %eq3A_288, %broadcast_in_dim3A_304, %select_n3A_302 : vector<16xi1>, vector<16xi32>
      %le3A_306 = arith.constant 2 : i32
      %le3A_307 = vector.broadcast %le3A_306 : i32 to vector<16xi32>
      %le3A_308 = arith.cmpi sle, %get3A_149, %le3A_307 : vector<16xi32>
      %ge3A_309 = arith.cmpi sge, %add3A_285, %select_n3A_305 : vector<16xi32>
      %and3A_310 = arith.andi %le3A_308, %ge3A_309 : vector<16xi1>
      %add3A_311 = vector.broadcast %mul3A_142 : i32 to vector<16xi32>
      %add3A_312 = arith.addi %add3A_311, %iota3A : vector<16xi32>
      %broadcast_in_dim3A_313 = arith.constant 25 : i32
      %broadcast_in_dim3A_314 = vector.broadcast %broadcast_in_dim3A_313 : i32 to vector<16xi32>
      tpu.vector_store_idx %arg8[%broadcast_in_dim3A_314, %add3A_312], %broadcast_in_dim3A_179 masked %gt3A_248 {add = true} : memref<32x128xf32, #tpu.memory_space<vmem>>[vector<16xi32>, vector<16xi32>], vector<16xf32>, vector<16xi1>
      tpu.vector_store_idx %arg8[%get3A_149, %add3A_312], %broadcast_in_dim3A_179 masked %and3A_259 {add = true} : memref<32x128xf32, #tpu.memory_space<vmem>>[vector<16xi32>, vector<16xi32>], vector<16xf32>, vector<16xi1>
      %broadcast_in_dim3A_315 = arith.constant 10 : i32
      %broadcast_in_dim3A_316 = vector.broadcast %broadcast_in_dim3A_315 : i32 to vector<16xi32>
      tpu.vector_store_idx %arg8[%broadcast_in_dim3A_316, %add3A_312], %broadcast_in_dim3A_179 masked %and3A_310 {add = true} : memref<32x128xf32, #tpu.memory_space<vmem>>[vector<16xi32>, vector<16xi32>], vector<16xf32>, vector<16xi1>
      %broadcast_in_dim3A_317 = arith.constant 11 : i32
      %broadcast_in_dim3A_318 = vector.broadcast %broadcast_in_dim3A_317 : i32 to vector<16xi32>
      tpu.vector_store_idx %arg8[%broadcast_in_dim3A_318, %add3A_312], %broadcast_in_dim3A_179 masked %and3A_310 {add = true} : memref<32x128xf32, #tpu.memory_space<vmem>>[vector<16xi32>, vector<16xi32>], vector<16xf32>, vector<16xi1>
      %scan3A_319 = arith.constant 0 : i32
      scf.yield %scan3A_319 : i32
    }
    %scan3A_95 = arith.constant 4 : i32
    %add3A_96 = arith.constant 128 : i32
    %add3A_97 = arith.addi %mul3A_24, %add3A_96 : i32
    %dma_start3A_98 = arith.constant 0 : i32
    %dma_start3A_99 = tpu.memref_slice %arg4[%dma_start3A_98, %add3A_97] : memref<32x16384xf32, #tpu.memory_space<hbm>> -> memref<32x128xf32, #tpu.memory_space<hbm>>
    %dma_start3A_100 = arith.constant 0 : i32
    %dma_start3A_101 = tpu.memref_slice %arg4[%dma_start3A_100, %add3A_97] : memref<32x16384xf32, #tpu.memory_space<hbm>> -> memref<32x128xf32, #tpu.memory_space<hbm>>
    tpu.enqueue_dma source(%arg8 : memref<32x128xf32, #tpu.memory_space<vmem>>) target(%dma_start3A_101 : memref<32x128xf32, #tpu.memory_space<hbm>>) target_semaphore(%arg15 : memref<!tpu.dma_semaphore, #tpu.memory_space<semaphore_mem>>)
    %dma_wait3A_102 = arith.constant 0 : i32
    %dma_wait3A_103 = tpu.memref_slice %arg2[%dma_wait3A_102, %add3A_78] : memref<200x16384xi32, #tpu.memory_space<hbm>> -> memref<200x128xi32, #tpu.memory_space<hbm>>
    %dma_wait3A_104 = arith.constant 0 : i32
    %dma_wait3A_105 = tpu.memref_slice %arg2[%dma_wait3A_104, %add3A_78] : memref<200x16384xi32, #tpu.memory_space<hbm>> -> memref<200x128xi32, #tpu.memory_space<hbm>>
    tpu.wait_dma2 semaphore(%arg10 : memref<!tpu.dma_semaphore, #tpu.memory_space<semaphore_mem>>) src(%dma_wait3A_105 : memref<200x128xi32, #tpu.memory_space<hbm>>) dst(%arg5 : memref<200x128xi32, #tpu.memory_space<vmem>>)
    %dma_wait3A_106 = arith.constant 0 : i32
    %dma_wait3A_107 = tpu.memref_slice %arg3[%dma_wait3A_106, %add3A_84] : memref<32x16384xf32, #tpu.memory_space<hbm>> -> memref<32x128xf32, #tpu.memory_space<hbm>>
    %dma_wait3A_108 = arith.constant 0 : i32
    %dma_wait3A_109 = tpu.memref_slice %arg3[%dma_wait3A_108, %add3A_84] : memref<32x16384xf32, #tpu.memory_space<hbm>> -> memref<32x128xf32, #tpu.memory_space<hbm>>
    tpu.wait_dma2 semaphore(%arg12 : memref<!tpu.dma_semaphore, #tpu.memory_space<semaphore_mem>>) src(%dma_wait3A_109 : memref<32x128xf32, #tpu.memory_space<hbm>>) dst(%arg7 : memref<32x128xf32, #tpu.memory_space<vmem>>)
    %dma_wait3A_110 = arith.constant 0 : i32
    %dma_wait3A_111 = tpu.memref_slice %arg4[%dma_wait3A_110, %add3A_97] : memref<32x16384xf32, #tpu.memory_space<hbm>> -> memref<32x128xf32, #tpu.memory_space<hbm>>
    %dma_wait3A_112 = arith.constant 0 : i32
    %dma_wait3A_113 = tpu.memref_slice %arg4[%dma_wait3A_112, %add3A_97] : memref<32x16384xf32, #tpu.memory_space<hbm>> -> memref<32x128xf32, #tpu.memory_space<hbm>>
    tpu.wait_dma2 semaphore(%arg15 : memref<!tpu.dma_semaphore, #tpu.memory_space<semaphore_mem>>) src(%arg8 : memref<32x128xf32, #tpu.memory_space<vmem>>) dst(%dma_wait3A_113 : memref<32x128xf32, #tpu.memory_space<hbm>>)
    %scan3A_114 = arith.constant 0 : i32
    %scan3A_115 = arith.constant 0 : i32
    %scan3A_116 = arith.constant 4 : i32
    %scan3A_117 = arith.addi %scan3A_115, %scan3A_116 : i32
    %scan3A_118 = arith.constant 1 : i32
    %scan3A_119 = scf.for %scan3A_131 = %scan3A_115 to %scan3A_117 step %scan3A_118 iter_args(%scan3A_132 = %scan3A_114) -> (i32)  : i32 {
      %mul3A_133 = arith.constant 2 : i32
      %mul3A_134 = arith.muli %mul3A_133, %scan3A_131 : i32
      %mul3A_135 = arith.constant 2 : i32
      %mul3A_136 = arith.muli %mul3A_135, %scan3A_131 : i32
      %add3A_137 = arith.constant 1 : i32
      %add3A_138 = arith.addi %mul3A_136, %add3A_137 : i32
      %mul3A_139 = arith.constant 16 : i32
      %mul3A_140 = arith.muli %mul3A_134, %mul3A_139 : i32
      %mul3A_141 = arith.constant 16 : i32
      %mul3A_142 = arith.muli %add3A_138, %mul3A_141 : i32
      %get3A = arith.constant 199 : i32
      %get3A_143 = arith.index_cast %get3A : i32 to index
      %get3A_144 = arith.index_cast %mul3A_140 : i32 to index
      %get3A_145 = tpu.vector_load %arg5[%get3A_143, %get3A_144] {strides = array<i32>} : memref<200x128xi32, #tpu.memory_space<vmem>>, vector<16xi32>,
      %get3A_146 = arith.constant 199 : i32
      %get3A_147 = arith.index_cast %get3A_146 : i32 to index
      %get3A_148 = arith.index_cast %mul3A_142 : i32 to index
      %get3A_149 = tpu.vector_load %arg5[%get3A_147, %get3A_148] {strides = array<i32>} : memref<200x128xi32, #tpu.memory_space<vmem>>, vector<16xi32>,
      %broadcast_in_dim3A_150 = arith.constant 0 : i32
      %broadcast_in_dim3A_151 = vector.broadcast %broadcast_in_dim3A_150 : i32 to vector<16xi32>
      %broadcast_in_dim3A_152 = arith.constant -1 : i32
      %broadcast_in_dim3A_153 = vector.broadcast %broadcast_in_dim3A_152 : i32 to vector<16xi32>
      %broadcast_in_dim3A_154 = arith.constant -1 : i32
      %broadcast_in_dim3A_155 = vector.broadcast %broadcast_in_dim3A_154 : i32 to vector<16xi32>
      %scan3A_156 = arith.constant 0 : i32
      %scan3A_157 = arith.constant 50 : i32
      %scan3A_158 = arith.addi %scan3A_156, %scan3A_157 : i32
      %scan3A_159 = arith.constant 1 : i32
      %scan3A_160:6 = scf.for %scan3A_320 = %scan3A_156 to %scan3A_158 step %scan3A_159 iter_args(%scan3A_321 = %broadcast_in_dim3A_151, %scan3A_322 = %broadcast_in_dim3A_153, %scan3A_323 = %broadcast_in_dim3A_151, %scan3A_324 = %broadcast_in_dim3A_151, %scan3A_325 = %broadcast_in_dim3A_155, %scan3A_326 = %broadcast_in_dim3A_151) -> (vector<16xi32>, vector<16xi32>, vector<16xi32>, vector<16xi32>, vector<16xi32>, vector<16xi32>)  : i32 {
        %mul3A_327 = arith.constant 4 : i32
        %mul3A_328 = arith.muli %scan3A_320, %mul3A_327 : i32
        %add3A_329 = arith.constant 0 : i32
        %add3A_330 = arith.addi %mul3A_328, %add3A_329 : i32
        %get3A_331 = arith.index_cast %add3A_330 : i32 to index
        %get3A_332 = arith.index_cast %mul3A_140 : i32 to index
        %get3A_333 = tpu.vector_load %arg5[%get3A_331, %get3A_332] {strides = array<i32>} : memref<200x128xi32, #tpu.memory_space<vmem>>, vector<16xi32>,
        %gather3A = tpu.vector_load_idx %arg9[%get3A_333] : memref<32xi32, #tpu.memory_space<vmem>>[vector<16xi32>], vector<16xi32>,
        %add3A_334 = arith.addi %scan3A_321, %gather3A : vector<16xi32>
        %max3A = arith.constant 0 : i32
        %max3A_335 = vector.broadcast %max3A : i32 to vector<16xi32>
        %max3A_336 = arith.maxsi %add3A_334, %max3A_335 : vector<16xi32>
        %eq3A_337 = arith.cmpi eq, %scan3A_322, %get3A_145 : vector<16xi32>
        %eq3A_338 = arith.constant 14 : i32
        %eq3A_339 = vector.broadcast %eq3A_338 : i32 to vector<16xi32>
        %eq3A_340 = arith.cmpi eq, %get3A_333, %eq3A_339 : vector<16xi32>
        %and3A_341 = arith.andi %eq3A_337, %eq3A_340 : vector<16xi1>
        %jit3A_342 = arith.constant 1 : i32
        %broadcast_in_dim3A_343 = vector.broadcast %jit3A_342 : i32 to vector<16xi32>
        %select_n3A_344 = arith.select %and3A_341, %broadcast_in_dim3A_343, %scan3A_323 : vector<16xi1>, vector<16xi32>
        %get3A_345 = arith.index_cast %add3A_330 : i32 to index
        %get3A_346 = arith.index_cast %mul3A_142 : i32 to index
        %get3A_347 = tpu.vector_load %arg5[%get3A_345, %get3A_346] {strides = array<i32>} : memref<200x128xi32, #tpu.memory_space<vmem>>, vector<16xi32>,
        %gather3A_348 = tpu.vector_load_idx %arg9[%get3A_347] : memref<32xi32, #tpu.memory_space<vmem>>[vector<16xi32>], vector<16xi32>,
        %add3A_349 = arith.addi %scan3A_324, %gather3A_348 : vector<16xi32>
        %max3A_350 = arith.constant 0 : i32
        %max3A_351 = vector.broadcast %max3A_350 : i32 to vector<16xi32>
        %max3A_352 = arith.maxsi %add3A_349, %max3A_351 : vector<16xi32>
        %eq3A_353 = arith.cmpi eq, %scan3A_325, %get3A_149 : vector<16xi32>
        %eq3A_354 = arith.constant 14 : i32
        %eq3A_355 = vector.broadcast %eq3A_354 : i32 to vector<16xi32>
        %eq3A_356 = arith.cmpi eq, %get3A_347, %eq3A_355 : vector<16xi32>
        %and3A_357 = arith.andi %eq3A_353, %eq3A_356 : vector<16xi1>
        %jit3A_358 = arith.constant 1 : i32
        %broadcast_in_dim3A_359 = vector.broadcast %jit3A_358 : i32 to vector<16xi32>
        %select_n3A_360 = arith.select %and3A_357, %broadcast_in_dim3A_359, %scan3A_326 : vector<16xi1>, vector<16xi32>
        %mul3A_361 = arith.constant 4 : i32
        %mul3A_362 = arith.muli %scan3A_320, %mul3A_361 : i32
        %add3A_363 = arith.constant 1 : i32
        %add3A_364 = arith.addi %mul3A_362, %add3A_363 : i32
        %get3A_365 = arith.index_cast %add3A_364 : i32 to index
        %get3A_366 = arith.index_cast %mul3A_140 : i32 to index
        %get3A_367 = tpu.vector_load %arg5[%get3A_365, %get3A_366] {strides = array<i32>} : memref<200x128xi32, #tpu.memory_space<vmem>>, vector<16xi32>,
        %gather3A_368 = tpu.vector_load_idx %arg9[%get3A_367] : memref<32xi32, #tpu.memory_space<vmem>>[vector<16xi32>], vector<16xi32>,
        %add3A_369 = arith.addi %max3A_336, %gather3A_368 : vector<16xi32>
        %max3A_370 = arith.constant 0 : i32
        %max3A_371 = vector.broadcast %max3A_370 : i32 to vector<16xi32>
        %max3A_372 = arith.maxsi %add3A_369, %max3A_371 : vector<16xi32>
        %eq3A_373 = arith.cmpi eq, %get3A_333, %get3A_145 : vector<16xi32>
        %eq3A_374 = arith.constant 14 : i32
        %eq3A_375 = vector.broadcast %eq3A_374 : i32 to vector<16xi32>
        %eq3A_376 = arith.cmpi eq, %get3A_367, %eq3A_375 : vector<16xi32>
        %and3A_377 = arith.andi %eq3A_373, %eq3A_376 : vector<16xi1>
        %jit3A_378 = arith.constant 1 : i32
        %broadcast_in_dim3A_379 = vector.broadcast %jit3A_378 : i32 to vector<16xi32>
        %select_n3A_380 = arith.select %and3A_377, %broadcast_in_dim3A_379, %select_n3A_344 : vector<16xi1>, vector<16xi32>
        %get3A_381 = arith.index_cast %add3A_364 : i32 to index
        %get3A_382 = arith.index_cast %mul3A_142 : i32 to index
        %get3A_383 = tpu.vector_load %arg5[%get3A_381, %get3A_382] {strides = array<i32>} : memref<200x128xi32, #tpu.memory_space<vmem>>, vector<16xi32>,
        %gather3A_384 = tpu.vector_load_idx %arg9[%get3A_383] : memref<32xi32, #tpu.memory_space<vmem>>[vector<16xi32>], vector<16xi32>,
        %add3A_385 = arith.addi %max3A_352, %gather3A_384 : vector<16xi32>
        %max3A_386 = arith.constant 0 : i32
        %max3A_387 = vector.broadcast %max3A_386 : i32 to vector<16xi32>
        %max3A_388 = arith.maxsi %add3A_385, %max3A_387 : vector<16xi32>
        %eq3A_389 = arith.cmpi eq, %get3A_347, %get3A_149 : vector<16xi32>
        %eq3A_390 = arith.constant 14 : i32
        %eq3A_391 = vector.broadcast %eq3A_390 : i32 to vector<16xi32>
        %eq3A_392 = arith.cmpi eq, %get3A_383, %eq3A_391 : vector<16xi32>
        %and3A_393 = arith.andi %eq3A_389, %eq3A_392 : vector<16xi1>
        %jit3A_394 = arith.constant 1 : i32
        %broadcast_in_dim3A_395 = vector.broadcast %jit3A_394 : i32 to vector<16xi32>
        %select_n3A_396 = arith.select %and3A_393, %broadcast_in_dim3A_395, %select_n3A_360 : vector<16xi1>, vector<16xi32>
        %mul3A_397 = arith.constant 4 : i32
        %mul3A_398 = arith.muli %scan3A_320, %mul3A_397 : i32
        %add3A_399 = arith.constant 2 : i32
        %add3A_400 = arith.addi %mul3A_398, %add3A_399 : i32
        %get3A_401 = arith.index_cast %add3A_400 : i32 to index
        %get3A_402 = arith.index_cast %mul3A_140 : i32 to index
        %get3A_403 = tpu.vector_load %arg5[%get3A_401, %get3A_402] {strides = array<i32>} : memref<200x128xi32, #tpu.memory_space<vmem>>, vector<16xi32>,
        %gather3A_404 = tpu.vector_load_idx %arg9[%get3A_403] : memref<32xi32, #tpu.memory_space<vmem>>[vector<16xi32>], vector<16xi32>,
        %add3A_405 = arith.addi %max3A_372, %gather3A_404 : vector<16xi32>
        %max3A_406 = arith.constant 0 : i32
        %max3A_407 = vector.broadcast %max3A_406 : i32 to vector<16xi32>
        %max3A_408 = arith.maxsi %add3A_405, %max3A_407 : vector<16xi32>
        %eq3A_409 = arith.cmpi eq, %get3A_367, %get3A_145 : vector<16xi32>
        %eq3A_410 = arith.constant 14 : i32
        %eq3A_411 = vector.broadcast %eq3A_410 : i32 to vector<16xi32>
        %eq3A_412 = arith.cmpi eq, %get3A_403, %eq3A_411 : vector<16xi32>
        %and3A_413 = arith.andi %eq3A_409, %eq3A_412 : vector<16xi1>
        %jit3A_414 = arith.constant 1 : i32
        %broadcast_in_dim3A_415 = vector.broadcast %jit3A_414 : i32 to vector<16xi32>
        %select_n3A_416 = arith.select %and3A_413, %broadcast_in_dim3A_415, %select_n3A_380 : vector<16xi1>, vector<16xi32>
        %get3A_417 = arith.index_cast %add3A_400 : i32 to index
        %get3A_418 = arith.index_cast %mul3A_142 : i32 to index
        %get3A_419 = tpu.vector_load %arg5[%get3A_417, %get3A_418] {strides = array<i32>} : memref<200x128xi32, #tpu.memory_space<vmem>>, vector<16xi32>,
        %gather3A_420 = tpu.vector_load_idx %arg9[%get3A_419] : memref<32xi32, #tpu.memory_space<vmem>>[vector<16xi32>], vector<16xi32>,
        %add3A_421 = arith.addi %max3A_388, %gather3A_420 : vector<16xi32>
        %max3A_422 = arith.constant 0 : i32
        %max3A_423 = vector.broadcast %max3A_422 : i32 to vector<16xi32>
        %max3A_424 = arith.maxsi %add3A_421, %max3A_423 : vector<16xi32>
        %eq3A_425 = arith.cmpi eq, %get3A_383, %get3A_149 : vector<16xi32>
        %eq3A_426 = arith.constant 14 : i32
        %eq3A_427 = vector.broadcast %eq3A_426 : i32 to vector<16xi32>
        %eq3A_428 = arith.cmpi eq, %get3A_419, %eq3A_427 : vector<16xi32>
        %and3A_429 = arith.andi %eq3A_425, %eq3A_428 : vector<16xi1>
        %jit3A_430 = arith.constant 1 : i32
        %broadcast_in_dim3A_431 = vector.broadcast %jit3A_430 : i32 to vector<16xi32>
        %select_n3A_432 = arith.select %and3A_429, %broadcast_in_dim3A_431, %select_n3A_396 : vector<16xi1>, vector<16xi32>
        %mul3A_433 = arith.constant 4 : i32
        %mul3A_434 = arith.muli %scan3A_320, %mul3A_433 : i32
        %add3A_435 = arith.constant 3 : i32
        %add3A_436 = arith.addi %mul3A_434, %add3A_435 : i32
        %get3A_437 = arith.index_cast %add3A_436 : i32 to index
        %get3A_438 = arith.index_cast %mul3A_140 : i32 to index
        %get3A_439 = tpu.vector_load %arg5[%get3A_437, %get3A_438] {strides = array<i32>} : memref<200x128xi32, #tpu.memory_space<vmem>>, vector<16xi32>,
        %gather3A_440 = tpu.vector_load_idx %arg9[%get3A_439] : memref<32xi32, #tpu.memory_space<vmem>>[vector<16xi32>], vector<16xi32>,
        %add3A_441 = arith.addi %max3A_408, %gather3A_440 : vector<16xi32>
        %max3A_442 = arith.constant 0 : i32
        %max3A_443 = vector.broadcast %max3A_442 : i32 to vector<16xi32>
        %max3A_444 = arith.maxsi %add3A_441, %max3A_443 : vector<16xi32>
        %eq3A_445 = arith.cmpi eq, %get3A_403, %get3A_145 : vector<16xi32>
        %eq3A_446 = arith.constant 14 : i32
        %eq3A_447 = vector.broadcast %eq3A_446 : i32 to vector<16xi32>
        %eq3A_448 = arith.cmpi eq, %get3A_439, %eq3A_447 : vector<16xi32>
        %and3A_449 = arith.andi %eq3A_445, %eq3A_448 : vector<16xi1>
        %jit3A_450 = arith.constant 1 : i32
        %broadcast_in_dim3A_451 = vector.broadcast %jit3A_450 : i32 to vector<16xi32>
        %select_n3A_452 = arith.select %and3A_449, %broadcast_in_dim3A_451, %select_n3A_416 : vector<16xi1>, vector<16xi32>
        %get3A_453 = arith.index_cast %add3A_436 : i32 to index
        %get3A_454 = arith.index_cast %mul3A_142 : i32 to index
        %get3A_455 = tpu.vector_load %arg5[%get3A_453, %get3A_454] {strides = array<i32>} : memref<200x128xi32, #tpu.memory_space<vmem>>, vector<16xi32>,
        %gather3A_456 = tpu.vector_load_idx %arg9[%get3A_455] : memref<32xi32, #tpu.memory_space<vmem>>[vector<16xi32>], vector<16xi32>,
        %add3A_457 = arith.addi %max3A_424, %gather3A_456 : vector<16xi32>
        %max3A_458 = arith.constant 0 : i32
        %max3A_459 = vector.broadcast %max3A_458 : i32 to vector<16xi32>
        %max3A_460 = arith.maxsi %add3A_457, %max3A_459 : vector<16xi32>
        %eq3A_461 = arith.cmpi eq, %get3A_419, %get3A_149 : vector<16xi32>
        %eq3A_462 = arith.constant 14 : i32
        %eq3A_463 = vector.broadcast %eq3A_462 : i32 to vector<16xi32>
        %eq3A_464 = arith.cmpi eq, %get3A_455, %eq3A_463 : vector<16xi32>
        %and3A_465 = arith.andi %eq3A_461, %eq3A_464 : vector<16xi1>
        %jit3A_466 = arith.constant 1 : i32
        %broadcast_in_dim3A_467 = vector.broadcast %jit3A_466 : i32 to vector<16xi32>
        %select_n3A_468 = arith.select %and3A_465, %broadcast_in_dim3A_467, %select_n3A_432 : vector<16xi1>, vector<16xi32>
        scf.yield %max3A_444, %get3A_439, %select_n3A_452, %max3A_460, %get3A_455, %select_n3A_468 : vector<16xi32>, vector<16xi32>, vector<16xi32>, vector<16xi32>, vector<16xi32>, vector<16xi32>
      }
      %scan3A_161 = arith.constant 50 : i32
      %get3A_162 = arith.constant 197 : i32
      %get3A_163 = arith.index_cast %get3A_162 : i32 to index
      %get3A_164 = arith.index_cast %mul3A_140 : i32 to index
      %get3A_165 = tpu.vector_load %arg5[%get3A_163, %get3A_164] {strides = array<i32>} : memref<200x128xi32, #tpu.memory_space<vmem>>, vector<16xi32>,
      %get3A_166 = arith.constant 197 : i32
      %get3A_167 = arith.index_cast %get3A_166 : i32 to index
      %get3A_168 = arith.index_cast %mul3A_142 : i32 to index
      %get3A_169 = tpu.vector_load %arg5[%get3A_167, %get3A_168] {strides = array<i32>} : memref<200x128xi32, #tpu.memory_space<vmem>>, vector<16xi32>,
      %get3A_170 = arith.constant 198 : i32
      %get3A_171 = arith.index_cast %get3A_170 : i32 to index
      %get3A_172 = arith.index_cast %mul3A_140 : i32 to index
      %get3A_173 = tpu.vector_load %arg5[%get3A_171, %get3A_172] {strides = array<i32>} : memref<200x128xi32, #tpu.memory_space<vmem>>, vector<16xi32>,
      %get3A_174 = arith.constant 198 : i32
      %get3A_175 = arith.index_cast %get3A_174 : i32 to index
      %get3A_176 = arith.index_cast %mul3A_142 : i32 to index
      %get3A_177 = tpu.vector_load %arg5[%get3A_175, %get3A_176] {strides = array<i32>} : memref<200x128xi32, #tpu.memory_space<vmem>>, vector<16xi32>,
      %broadcast_in_dim3A_178 = arith.constant -1.000000e+09 : f32
      %broadcast_in_dim3A_179 = vector.broadcast %broadcast_in_dim3A_178 : f32 to vector<16xf32>
      %gt3A = arith.constant 0 : i32
      %gt3A_180 = vector.broadcast %gt3A : i32 to vector<16xi32>
      %gt3A_181 = arith.cmpi sgt, %scan3A_160#0, %gt3A_180 : vector<16xi32>
      %gt3A_182 = arith.constant 0 : i32
      %gt3A_183 = vector.broadcast %gt3A_182 : i32 to vector<16xi32>
      %gt3A_184 = arith.cmpi sgt, %scan3A_160#2, %gt3A_183 : vector<16xi32>
      %ge3A = arith.constant 15 : i32
      %ge3A_185 = vector.broadcast %ge3A : i32 to vector<16xi32>
      %ge3A_186 = arith.cmpi sge, %get3A_145, %ge3A_185 : vector<16xi32>
      %and3A = arith.andi %gt3A_184, %ge3A_186 : vector<16xi1>
      %le3A = arith.constant 24 : i32
      %le3A_187 = vector.broadcast %le3A : i32 to vector<16xi32>
      %le3A_188 = arith.cmpi sle, %get3A_145, %le3A_187 : vector<16xi32>
      %and3A_189 = arith.andi %and3A, %le3A_188 : vector<16xi1>
      %eq3A_190 = arith.constant 10 : i32
      %eq3A_191 = vector.broadcast %eq3A_190 : i32 to vector<16xi32>
      %eq3A_192 = arith.cmpi eq, %get3A_165, %eq3A_191 : vector<16xi32>
      %eq3A_193 = arith.constant 11 : i32
      %eq3A_194 = vector.broadcast %eq3A_193 : i32 to vector<16xi32>
      %eq3A_195 = arith.cmpi eq, %get3A_165, %eq3A_194 : vector<16xi32>
      %or3A = arith.ori %eq3A_192, %eq3A_195 : vector<16xi1>
      %convert_element_type3A = arith.extui %or3A : vector<16xi1> to vector<16xi32>
      %eq3A_196 = arith.constant 10 : i32
      %eq3A_197 = vector.broadcast %eq3A_196 : i32 to vector<16xi32>
      %eq3A_198 = arith.cmpi eq, %get3A_173, %eq3A_197 : vector<16xi32>
      %eq3A_199 = arith.constant 11 : i32
      %eq3A_200 = vector.broadcast %eq3A_199 : i32 to vector<16xi32>
      %eq3A_201 = arith.cmpi eq, %get3A_173, %eq3A_200 : vector<16xi32>
      %or3A_202 = arith.ori %eq3A_198, %eq3A_201 : vector<16xi1>
      %convert_element_type3A_203 = arith.extui %or3A_202 : vector<16xi1> to vector<16xi32>
      %add3A_204 = arith.addi %convert_element_type3A, %convert_element_type3A_203 : vector<16xi32>
      %eq3A_205 = arith.constant 10 : i32
      %eq3A_206 = vector.broadcast %eq3A_205 : i32 to vector<16xi32>
      %eq3A_207 = arith.cmpi eq, %get3A_145, %eq3A_206 : vector<16xi32>
      %eq3A_208 = arith.constant 11 : i32
      %eq3A_209 = vector.broadcast %eq3A_208 : i32 to vector<16xi32>
      %eq3A_210 = arith.cmpi eq, %get3A_145, %eq3A_209 : vector<16xi32>
      %or3A_211 = arith.ori %eq3A_207, %eq3A_210 : vector<16xi1>
      %convert_element_type3A_212 = arith.extui %or3A_211 : vector<16xi1> to vector<16xi32>
      %add3A_213 = arith.addi %add3A_204, %convert_element_type3A_212 : vector<16xi32>
      %eq3A_214 = arith.constant 0 : i32
      %eq3A_215 = vector.broadcast %eq3A_214 : i32 to vector<16xi32>
      %eq3A_216 = arith.cmpi eq, %get3A_145, %eq3A_215 : vector<16xi32>
      %eq3A_217 = arith.constant 1 : i32
      %eq3A_218 = vector.broadcast %eq3A_217 : i32 to vector<16xi32>
      %eq3A_219 = arith.cmpi eq, %get3A_145, %eq3A_218 : vector<16xi32>
      %eq3A_220 = arith.constant 2 : i32
      %eq3A_221 = vector.broadcast %eq3A_220 : i32 to vector<16xi32>
      %eq3A_222 = arith.cmpi eq, %get3A_145, %eq3A_221 : vector<16xi32>
      %jit3A = arith.constant 3 : i32
      %jit3A_223 = arith.constant 99 : i32
      %broadcast_in_dim3A_224 = vector.broadcast %jit3A : i32 to vector<16xi32>
      %broadcast_in_dim3A_225 = vector.broadcast %jit3A_223 : i32 to vector<16xi32>
      %select_n3A_226 = arith.select %eq3A_222, %broadcast_in_dim3A_224, %broadcast_in_dim3A_225 : vector<16xi1>, vector<16xi32>
      %jit3A_227 = arith.constant 2 : i32
      %broadcast_in_dim3A_228 = vector.broadcast %jit3A_227 : i32 to vector<16xi32>
      %select_n3A_229 = arith.select %eq3A_219, %broadcast_in_dim3A_228, %select_n3A_226 : vector<16xi1>, vector<16xi32>
      %jit3A_230 = arith.constant 4 : i32
      %broadcast_in_dim3A_231 = vector.broadcast %jit3A_230 : i32 to vector<16xi32>
      %select_n3A_232 = arith.select %eq3A_216, %broadcast_in_dim3A_231, %select_n3A_229 : vector<16xi1>, vector<16xi32>
      %le3A_233 = arith.constant 2 : i32
      %le3A_234 = vector.broadcast %le3A_233 : i32 to vector<16xi32>
      %le3A_235 = arith.cmpi sle, %get3A_145, %le3A_234 : vector<16xi32>
      %ge3A_236 = arith.cmpi sge, %add3A_213, %select_n3A_232 : vector<16xi32>
      %and3A_237 = arith.andi %le3A_235, %ge3A_236 : vector<16xi1>
      %add3A_238 = vector.broadcast %mul3A_140 : i32 to vector<16xi32>
      %add3A_239 = arith.addi %add3A_238, %iota3A : vector<16xi32>
      %broadcast_in_dim3A_240 = arith.constant 25 : i32
      %broadcast_in_dim3A_241 = vector.broadcast %broadcast_in_dim3A_240 : i32 to vector<16xi32>
      tpu.vector_store_idx %arg7[%broadcast_in_dim3A_241, %add3A_239], %broadcast_in_dim3A_179 masked %gt3A_181 {add = true} : memref<32x128xf32, #tpu.memory_space<vmem>>[vector<16xi32>, vector<16xi32>], vector<16xf32>, vector<16xi1>
      tpu.vector_store_idx %arg7[%get3A_145, %add3A_239], %broadcast_in_dim3A_179 masked %and3A_189 {add = true} : memref<32x128xf32, #tpu.memory_space<vmem>>[vector<16xi32>, vector<16xi32>], vector<16xf32>, vector<16xi1>
      %broadcast_in_dim3A_242 = arith.constant 10 : i32
      %broadcast_in_dim3A_243 = vector.broadcast %broadcast_in_dim3A_242 : i32 to vector<16xi32>
      tpu.vector_store_idx %arg7[%broadcast_in_dim3A_243, %add3A_239], %broadcast_in_dim3A_179 masked %and3A_237 {add = true} : memref<32x128xf32, #tpu.memory_space<vmem>>[vector<16xi32>, vector<16xi32>], vector<16xf32>, vector<16xi1>
      %broadcast_in_dim3A_244 = arith.constant 11 : i32
      %broadcast_in_dim3A_245 = vector.broadcast %broadcast_in_dim3A_244 : i32 to vector<16xi32>
      tpu.vector_store_idx %arg7[%broadcast_in_dim3A_245, %add3A_239], %broadcast_in_dim3A_179 masked %and3A_237 {add = true} : memref<32x128xf32, #tpu.memory_space<vmem>>[vector<16xi32>, vector<16xi32>], vector<16xf32>, vector<16xi1>
      %gt3A_246 = arith.constant 0 : i32
      %gt3A_247 = vector.broadcast %gt3A_246 : i32 to vector<16xi32>
      %gt3A_248 = arith.cmpi sgt, %scan3A_160#3, %gt3A_247 : vector<16xi32>
      %gt3A_249 = arith.constant 0 : i32
      %gt3A_250 = vector.broadcast %gt3A_249 : i32 to vector<16xi32>
      %gt3A_251 = arith.cmpi sgt, %scan3A_160#5, %gt3A_250 : vector<16xi32>
      %ge3A_252 = arith.constant 15 : i32
      %ge3A_253 = vector.broadcast %ge3A_252 : i32 to vector<16xi32>
      %ge3A_254 = arith.cmpi sge, %get3A_149, %ge3A_253 : vector<16xi32>
      %and3A_255 = arith.andi %gt3A_251, %ge3A_254 : vector<16xi1>
      %le3A_256 = arith.constant 24 : i32
      %le3A_257 = vector.broadcast %le3A_256 : i32 to vector<16xi32>
      %le3A_258 = arith.cmpi sle, %get3A_149, %le3A_257 : vector<16xi32>
      %and3A_259 = arith.andi %and3A_255, %le3A_258 : vector<16xi1>
      %eq3A_260 = arith.constant 10 : i32
      %eq3A_261 = vector.broadcast %eq3A_260 : i32 to vector<16xi32>
      %eq3A_262 = arith.cmpi eq, %get3A_169, %eq3A_261 : vector<16xi32>
      %eq3A_263 = arith.constant 11 : i32
      %eq3A_264 = vector.broadcast %eq3A_263 : i32 to vector<16xi32>
      %eq3A_265 = arith.cmpi eq, %get3A_169, %eq3A_264 : vector<16xi32>
      %or3A_266 = arith.ori %eq3A_262, %eq3A_265 : vector<16xi1>
      %convert_element_type3A_267 = arith.extui %or3A_266 : vector<16xi1> to vector<16xi32>
      %eq3A_268 = arith.constant 10 : i32
      %eq3A_269 = vector.broadcast %eq3A_268 : i32 to vector<16xi32>
      %eq3A_270 = arith.cmpi eq, %get3A_177, %eq3A_269 : vector<16xi32>
      %eq3A_271 = arith.constant 11 : i32
      %eq3A_272 = vector.broadcast %eq3A_271 : i32 to vector<16xi32>
      %eq3A_273 = arith.cmpi eq, %get3A_177, %eq3A_272 : vector<16xi32>
      %or3A_274 = arith.ori %eq3A_270, %eq3A_273 : vector<16xi1>
      %convert_element_type3A_275 = arith.extui %or3A_274 : vector<16xi1> to vector<16xi32>
      %add3A_276 = arith.addi %convert_element_type3A_267, %convert_element_type3A_275 : vector<16xi32>
      %eq3A_277 = arith.constant 10 : i32
      %eq3A_278 = vector.broadcast %eq3A_277 : i32 to vector<16xi32>
      %eq3A_279 = arith.cmpi eq, %get3A_149, %eq3A_278 : vector<16xi32>
      %eq3A_280 = arith.constant 11 : i32
      %eq3A_281 = vector.broadcast %eq3A_280 : i32 to vector<16xi32>
      %eq3A_282 = arith.cmpi eq, %get3A_149, %eq3A_281 : vector<16xi32>
      %or3A_283 = arith.ori %eq3A_279, %eq3A_282 : vector<16xi1>
      %convert_element_type3A_284 = arith.extui %or3A_283 : vector<16xi1> to vector<16xi32>
      %add3A_285 = arith.addi %add3A_276, %convert_element_type3A_284 : vector<16xi32>
      %eq3A_286 = arith.constant 0 : i32
      %eq3A_287 = vector.broadcast %eq3A_286 : i32 to vector<16xi32>
      %eq3A_288 = arith.cmpi eq, %get3A_149, %eq3A_287 : vector<16xi32>
      %eq3A_289 = arith.constant 1 : i32
      %eq3A_290 = vector.broadcast %eq3A_289 : i32 to vector<16xi32>
      %eq3A_291 = arith.cmpi eq, %get3A_149, %eq3A_290 : vector<16xi32>
      %eq3A_292 = arith.constant 2 : i32
      %eq3A_293 = vector.broadcast %eq3A_292 : i32 to vector<16xi32>
      %eq3A_294 = arith.cmpi eq, %get3A_149, %eq3A_293 : vector<16xi32>
      %jit3A_295 = arith.constant 3 : i32
      %jit3A_296 = arith.constant 99 : i32
      %broadcast_in_dim3A_297 = vector.broadcast %jit3A_295 : i32 to vector<16xi32>
      %broadcast_in_dim3A_298 = vector.broadcast %jit3A_296 : i32 to vector<16xi32>
      %select_n3A_299 = arith.select %eq3A_294, %broadcast_in_dim3A_297, %broadcast_in_dim3A_298 : vector<16xi1>, vector<16xi32>
      %jit3A_300 = arith.constant 2 : i32
      %broadcast_in_dim3A_301 = vector.broadcast %jit3A_300 : i32 to vector<16xi32>
      %select_n3A_302 = arith.select %eq3A_291, %broadcast_in_dim3A_301, %select_n3A_299 : vector<16xi1>, vector<16xi32>
      %jit3A_303 = arith.constant 4 : i32
      %broadcast_in_dim3A_304 = vector.broadcast %jit3A_303 : i32 to vector<16xi32>
      %select_n3A_305 = arith.select %eq3A_288, %broadcast_in_dim3A_304, %select_n3A_302 : vector<16xi1>, vector<16xi32>
      %le3A_306 = arith.constant 2 : i32
      %le3A_307 = vector.broadcast %le3A_306 : i32 to vector<16xi32>
      %le3A_308 = arith.cmpi sle, %get3A_149, %le3A_307 : vector<16xi32>
      %ge3A_309 = arith.cmpi sge, %add3A_285, %select_n3A_305 : vector<16xi32>
      %and3A_310 = arith.andi %le3A_308, %ge3A_309 : vector<16xi1>
      %add3A_311 = vector.broadcast %mul3A_142 : i32 to vector<16xi32>
      %add3A_312 = arith.addi %add3A_311, %iota3A : vector<16xi32>
      %broadcast_in_dim3A_313 = arith.constant 25 : i32
      %broadcast_in_dim3A_314 = vector.broadcast %broadcast_in_dim3A_313 : i32 to vector<16xi32>
      tpu.vector_store_idx %arg7[%broadcast_in_dim3A_314, %add3A_312], %broadcast_in_dim3A_179 masked %gt3A_248 {add = true} : memref<32x128xf32, #tpu.memory_space<vmem>>[vector<16xi32>, vector<16xi32>], vector<16xf32>, vector<16xi1>
      tpu.vector_store_idx %arg7[%get3A_149, %add3A_312], %broadcast_in_dim3A_179 masked %and3A_259 {add = true} : memref<32x128xf32, #tpu.memory_space<vmem>>[vector<16xi32>, vector<16xi32>], vector<16xf32>, vector<16xi1>
      %broadcast_in_dim3A_315 = arith.constant 10 : i32
      %broadcast_in_dim3A_316 = vector.broadcast %broadcast_in_dim3A_315 : i32 to vector<16xi32>
      tpu.vector_store_idx %arg7[%broadcast_in_dim3A_316, %add3A_312], %broadcast_in_dim3A_179 masked %and3A_310 {add = true} : memref<32x128xf32, #tpu.memory_space<vmem>>[vector<16xi32>, vector<16xi32>], vector<16xf32>, vector<16xi1>
      %broadcast_in_dim3A_317 = arith.constant 11 : i32
      %broadcast_in_dim3A_318 = vector.broadcast %broadcast_in_dim3A_317 : i32 to vector<16xi32>
      tpu.vector_store_idx %arg7[%broadcast_in_dim3A_318, %add3A_312], %broadcast_in_dim3A_179 masked %and3A_310 {add = true} : memref<32x128xf32, #tpu.memory_space<vmem>>[vector<16xi32>, vector<16xi32>], vector<16xf32>, vector<16xi1>
      %scan3A_319 = arith.constant 0 : i32
      scf.yield %scan3A_319 : i32
    }
    %scan3A_120 = arith.constant 4 : i32
    %add3A_121 = arith.constant 256 : i32
    %add3A_122 = arith.addi %mul3A_24, %add3A_121 : i32
    %dma_start3A_123 = arith.constant 0 : i32
    %dma_start3A_124 = tpu.memref_slice %arg4[%dma_start3A_123, %add3A_122] : memref<32x16384xf32, #tpu.memory_space<hbm>> -> memref<32x128xf32, #tpu.memory_space<hbm>>
    %dma_start3A_125 = arith.constant 0 : i32
    %dma_start3A_126 = tpu.memref_slice %arg4[%dma_start3A_125, %add3A_122] : memref<32x16384xf32, #tpu.memory_space<hbm>> -> memref<32x128xf32, #tpu.memory_space<hbm>>
    tpu.enqueue_dma source(%arg7 : memref<32x128xf32, #tpu.memory_space<vmem>>) target(%dma_start3A_126 : memref<32x128xf32, #tpu.memory_space<hbm>>) target_semaphore(%arg14 : memref<!tpu.dma_semaphore, #tpu.memory_space<semaphore_mem>>)
    %dma_wait3A_127 = arith.constant 0 : i32
    %dma_wait3A_128 = tpu.memref_slice %arg4[%dma_wait3A_127, %add3A_122] : memref<32x16384xf32, #tpu.memory_space<hbm>> -> memref<32x128xf32, #tpu.memory_space<hbm>>
    %dma_wait3A_129 = arith.constant 0 : i32
    %dma_wait3A_130 = tpu.memref_slice %arg4[%dma_wait3A_129, %add3A_122] : memref<32x16384xf32, #tpu.memory_space<hbm>> -> memref<32x128xf32, #tpu.memory_space<hbm>>
    tpu.wait_dma2 semaphore(%arg14 : memref<!tpu.dma_semaphore, #tpu.memory_space<semaphore_mem>>) src(%arg7 : memref<32x128xf32, #tpu.memory_space<vmem>>) dst(%dma_wait3A_130 : memref<32x128xf32, #tpu.memory_space<hbm>>)
    return
  }
}

module attributes {stable_mosaic.version = 14 : i64} {
  func.func @body(%arg0: i32, %arg1: memref<200x512xi32, #tpu.memory_space<vmem>>, %arg2: memref<32x512xf32, #tpu.memory_space<vmem>>, %arg3: memref<32x512xf32, #tpu.memory_space<vmem>>) attributes {dimension_semantics = [#tpu.dimension_semantics<arbitrary>], iteration_bounds = array<i64: 8>, scalar_prefetch = 0 : i64, scratch_operands = 0 : i64, tpu.core_type = #tpu.core_type<tc>, window_params = [{transform_indices = @transform_0, window_bounds = array<i64: 200, 512>}, {transform_indices = @transform_1, window_bounds = array<i64: 32, 512>}, {transform_indices = @transform_2, window_bounds = array<i64: 32, 512>}]} {
    %get3A = arith.constant 0 : index
    %get3A_0 = arith.constant 0 : index
    %get3A_1 = vector.load %arg1[%get3A, %get3A_0] : memref<200x512xi32, #tpu.memory_space<vmem>>, vector<200x512xi32>
    %eq3A = arith.constant 6 : i32
    %eq3A_2 = vector.broadcast %eq3A : i32 to vector<200x512xi32>
    %eq3A_3 = arith.cmpi eq, %get3A_1, %eq3A_2 : vector<200x512xi32>
    %eq3A_4 = arith.constant 8 : i32
    %eq3A_5 = vector.broadcast %eq3A_4 : i32 to vector<200x512xi32>
    %eq3A_6 = arith.cmpi eq, %get3A_1, %eq3A_5 : vector<200x512xi32>
    %or3A = arith.ori %eq3A_3, %eq3A_6 : vector<200x512xi1>
    %convert_element_type3A = arith.extui %or3A : vector<200x512xi1> to vector<200x512xi32>
    %eq3A_7 = arith.constant 7 : i32
    %eq3A_8 = vector.broadcast %eq3A_7 : i32 to vector<200x512xi32>
    %eq3A_9 = arith.cmpi eq, %get3A_1, %eq3A_8 : vector<200x512xi32>
    %eq3A_10 = arith.constant 9 : i32
    %eq3A_11 = vector.broadcast %eq3A_10 : i32 to vector<200x512xi32>
    %eq3A_12 = arith.cmpi eq, %get3A_1, %eq3A_11 : vector<200x512xi32>
    %or3A_13 = arith.ori %eq3A_9, %eq3A_12 : vector<200x512xi1>
    %convert_element_type3A_14 = arith.extui %or3A_13 : vector<200x512xi1> to vector<200x512xi32>
    %sub3A = arith.subi %convert_element_type3A, %convert_element_type3A_14 : vector<200x512xi32>
    %broadcast_in_dim3A = arith.constant 0 : i32
    %broadcast_in_dim3A_15 = vector.broadcast %broadcast_in_dim3A : i32 to vector<1x512xi32>
    %slice3A = vector.extract_strided_slice %sub3A {offsets = [0, 0], sizes = [199, 512], strides = [1, 1]} : vector<200x512xi32> to vector<199x512xi32>
    %concatenate3A = tpu.concatenate %broadcast_in_dim3A_15, %slice3A in 0 : vector<1x512xi32>, vector<199x512xi32> -> vector<200x512xi32>
    %add3A = arith.addi %sub3A, %concatenate3A : vector<200x512xi32>
    %broadcast_in_dim3A_16 = arith.constant 0 : i32
    %broadcast_in_dim3A_17 = vector.broadcast %broadcast_in_dim3A_16 : i32 to vector<2x512xi32>
    %slice3A_18 = vector.extract_strided_slice %add3A {offsets = [0, 0], sizes = [198, 512], strides = [1, 1]} : vector<200x512xi32> to vector<198x512xi32>
    %concatenate3A_19 = tpu.concatenate %broadcast_in_dim3A_17, %slice3A_18 in 0 : vector<2x512xi32>, vector<198x512xi32> -> vector<200x512xi32>
    %add3A_20 = arith.addi %add3A, %concatenate3A_19 : vector<200x512xi32>
    %broadcast_in_dim3A_21 = arith.constant 0 : i32
    %broadcast_in_dim3A_22 = vector.broadcast %broadcast_in_dim3A_21 : i32 to vector<4x512xi32>
    %slice3A_23 = vector.extract_strided_slice %add3A_20 {offsets = [0, 0], sizes = [196, 512], strides = [1, 1]} : vector<200x512xi32> to vector<196x512xi32>
    %concatenate3A_24 = tpu.concatenate %broadcast_in_dim3A_22, %slice3A_23 in 0 : vector<4x512xi32>, vector<196x512xi32> -> vector<200x512xi32>
    %add3A_25 = arith.addi %add3A_20, %concatenate3A_24 : vector<200x512xi32>
    %broadcast_in_dim3A_26 = arith.constant 0 : i32
    %broadcast_in_dim3A_27 = vector.broadcast %broadcast_in_dim3A_26 : i32 to vector<8x512xi32>
    %slice3A_28 = vector.extract_strided_slice %add3A_25 {offsets = [0, 0], sizes = [192, 512], strides = [1, 1]} : vector<200x512xi32> to vector<192x512xi32>
    %concatenate3A_29 = tpu.concatenate %broadcast_in_dim3A_27, %slice3A_28 in 0 : vector<8x512xi32>, vector<192x512xi32> -> vector<200x512xi32>
    %add3A_30 = arith.addi %add3A_25, %concatenate3A_29 : vector<200x512xi32>
    %broadcast_in_dim3A_31 = arith.constant 0 : i32
    %broadcast_in_dim3A_32 = vector.broadcast %broadcast_in_dim3A_31 : i32 to vector<16x512xi32>
    %slice3A_33 = vector.extract_strided_slice %add3A_30 {offsets = [0, 0], sizes = [184, 512], strides = [1, 1]} : vector<200x512xi32> to vector<184x512xi32>
    %concatenate3A_34 = tpu.concatenate %broadcast_in_dim3A_32, %slice3A_33 in 0 : vector<16x512xi32>, vector<184x512xi32> -> vector<200x512xi32>
    %add3A_35 = arith.addi %add3A_30, %concatenate3A_34 : vector<200x512xi32>
    %broadcast_in_dim3A_36 = arith.constant 0 : i32
    %broadcast_in_dim3A_37 = vector.broadcast %broadcast_in_dim3A_36 : i32 to vector<32x512xi32>
    %slice3A_38 = vector.extract_strided_slice %add3A_35 {offsets = [0, 0], sizes = [168, 512], strides = [1, 1]} : vector<200x512xi32> to vector<168x512xi32>
    %concatenate3A_39 = tpu.concatenate %broadcast_in_dim3A_37, %slice3A_38 in 0 : vector<32x512xi32>, vector<168x512xi32> -> vector<200x512xi32>
    %add3A_40 = arith.addi %add3A_35, %concatenate3A_39 : vector<200x512xi32>
    %broadcast_in_dim3A_41 = arith.constant 0 : i32
    %broadcast_in_dim3A_42 = vector.broadcast %broadcast_in_dim3A_41 : i32 to vector<64x512xi32>
    %slice3A_43 = vector.extract_strided_slice %add3A_40 {offsets = [0, 0], sizes = [136, 512], strides = [1, 1]} : vector<200x512xi32> to vector<136x512xi32>
    %concatenate3A_44 = tpu.concatenate %broadcast_in_dim3A_42, %slice3A_43 in 0 : vector<64x512xi32>, vector<136x512xi32> -> vector<200x512xi32>
    %add3A_45 = arith.addi %add3A_40, %concatenate3A_44 : vector<200x512xi32>
    %broadcast_in_dim3A_46 = arith.constant 0 : i32
    %broadcast_in_dim3A_47 = vector.broadcast %broadcast_in_dim3A_46 : i32 to vector<128x512xi32>
    %slice3A_48 = vector.extract_strided_slice %add3A_45 {offsets = [0, 0], sizes = [72, 512], strides = [1, 1]} : vector<200x512xi32> to vector<72x512xi32>
    %concatenate3A_49 = tpu.concatenate %broadcast_in_dim3A_47, %slice3A_48 in 0 : vector<128x512xi32>, vector<72x512xi32> -> vector<200x512xi32>
    %add3A_50 = arith.addi %add3A_45, %concatenate3A_49 : vector<200x512xi32>
    %slice3A_51 = vector.extract_strided_slice %add3A_50 {offsets = [199, 0], sizes = [1, 512], strides = [1, 1]} : vector<200x512xi32> to vector<1x512xi32>
    %reduce_min3A = arith.constant dense<2147483647> : vector<512xi32>
    %reduce_min3A_52 = vector.multi_reduction <minsi>, %add3A_50, %reduce_min3A [0] : vector<200x512xi32> to vector<512xi32>
    %broadcast_in_dim3A_53 = vector.shape_cast %reduce_min3A_52 : vector<512xi32> to vector<1x512xi32>
    %min3A = arith.constant 0 : i32
    %min3A_54 = vector.broadcast %min3A : i32 to vector<1x512xi32>
    %min3A_55 = arith.minsi %broadcast_in_dim3A_53, %min3A_54 : vector<1x512xi32>
    %sub3A_56 = arith.subi %slice3A_51, %min3A_55 : vector<1x512xi32>
    %gt3A = arith.constant 0 : i32
    %gt3A_57 = vector.broadcast %gt3A : i32 to vector<1x512xi32>
    %gt3A_58 = arith.cmpi sgt, %sub3A_56, %gt3A_57 : vector<1x512xi32>
    %slice3A_59 = vector.extract_strided_slice %get3A_1 {offsets = [199, 0], sizes = [1, 512], strides = [1, 1]} : vector<200x512xi32> to vector<1x512xi32>
    %slice3A_60 = vector.extract_strided_slice %get3A_1 {offsets = [0, 0], sizes = [199, 512], strides = [1, 1]} : vector<200x512xi32> to vector<199x512xi32>
    %eq3A_61 = vector.broadcast %slice3A_59 : vector<1x512xi32> to vector<199x512xi32>
    %eq3A_62 = arith.cmpi eq, %slice3A_60, %eq3A_61 : vector<199x512xi32>
    %slice3A_63 = vector.extract_strided_slice %get3A_1 {offsets = [1, 0], sizes = [199, 512], strides = [1, 1]} : vector<200x512xi32> to vector<199x512xi32>
    %eq3A_64 = arith.constant 14 : i32
    %eq3A_65 = vector.broadcast %eq3A_64 : i32 to vector<199x512xi32>
    %eq3A_66 = arith.cmpi eq, %slice3A_63, %eq3A_65 : vector<199x512xi32>
    %and3A = arith.andi %eq3A_62, %eq3A_66 : vector<199x512xi1>
    %reduce_or3A = arith.constant 1.000000e+00 : f32
    %reduce_or3A_67 = arith.constant 0.000000e+00 : f32
    %reduce_or3A_68 = vector.broadcast %reduce_or3A : f32 to vector<199x512xf32>
    %reduce_or3A_69 = vector.broadcast %reduce_or3A_67 : f32 to vector<199x512xf32>
    %reduce_or3A_70 = arith.select %and3A, %reduce_or3A_68, %reduce_or3A_69 : vector<199x512xi1>, vector<199x512xf32>
    %reduce_or3A_71 = arith.constant dense<0xFF800000> : vector<512xf32>
    %reduce_or3A_72 = vector.multi_reduction <maximumf>, %reduce_or3A_70, %reduce_or3A_71 [0] : vector<199x512xf32> to vector<512xf32>
    %reduce_or3A_73 = arith.constant 0.000000e+00 : f32
    %reduce_or3A_74 = vector.broadcast %reduce_or3A_73 : f32 to vector<512xf32>
    %reduce_or3A_75 = arith.cmpf ogt, %reduce_or3A_72, %reduce_or3A_74 : vector<512xf32>
    %broadcast_in_dim3A_76 = vector.shape_cast %reduce_or3A_75 : vector<512xi1> to vector<1x512xi1>
    %ge3A = arith.constant 15 : i32
    %ge3A_77 = vector.broadcast %ge3A : i32 to vector<1x512xi32>
    %ge3A_78 = arith.cmpi sge, %slice3A_59, %ge3A_77 : vector<1x512xi32>
    %and3A_79 = arith.andi %broadcast_in_dim3A_76, %ge3A_78 : vector<1x512xi1>
    %le3A = arith.constant 24 : i32
    %le3A_80 = vector.broadcast %le3A : i32 to vector<1x512xi32>
    %le3A_81 = arith.cmpi sle, %slice3A_59, %le3A_80 : vector<1x512xi32>
    %and3A_82 = arith.andi %and3A_79, %le3A_81 : vector<1x512xi1>
    %slice3A_83 = vector.extract_strided_slice %get3A_1 {offsets = [197, 0], sizes = [1, 512], strides = [1, 1]} : vector<200x512xi32> to vector<1x512xi32>
    %eq3A_84 = arith.constant 10 : i32
    %eq3A_85 = vector.broadcast %eq3A_84 : i32 to vector<1x512xi32>
    %eq3A_86 = arith.cmpi eq, %slice3A_83, %eq3A_85 : vector<1x512xi32>
    %slice3A_87 = vector.extract_strided_slice %get3A_1 {offsets = [197, 0], sizes = [1, 512], strides = [1, 1]} : vector<200x512xi32> to vector<1x512xi32>
    %eq3A_88 = arith.constant 11 : i32
    %eq3A_89 = vector.broadcast %eq3A_88 : i32 to vector<1x512xi32>
    %eq3A_90 = arith.cmpi eq, %slice3A_87, %eq3A_89 : vector<1x512xi32>
    %or3A_91 = arith.ori %eq3A_86, %eq3A_90 : vector<1x512xi1>
    %convert_element_type3A_92 = arith.extui %or3A_91 : vector<1x512xi1> to vector<1x512xi32>
    %slice3A_93 = vector.extract_strided_slice %get3A_1 {offsets = [198, 0], sizes = [1, 512], strides = [1, 1]} : vector<200x512xi32> to vector<1x512xi32>
    %eq3A_94 = arith.constant 10 : i32
    %eq3A_95 = vector.broadcast %eq3A_94 : i32 to vector<1x512xi32>
    %eq3A_96 = arith.cmpi eq, %slice3A_93, %eq3A_95 : vector<1x512xi32>
    %slice3A_97 = vector.extract_strided_slice %get3A_1 {offsets = [198, 0], sizes = [1, 512], strides = [1, 1]} : vector<200x512xi32> to vector<1x512xi32>
    %eq3A_98 = arith.constant 11 : i32
    %eq3A_99 = vector.broadcast %eq3A_98 : i32 to vector<1x512xi32>
    %eq3A_100 = arith.cmpi eq, %slice3A_97, %eq3A_99 : vector<1x512xi32>
    %or3A_101 = arith.ori %eq3A_96, %eq3A_100 : vector<1x512xi1>
    %convert_element_type3A_102 = arith.extui %or3A_101 : vector<1x512xi1> to vector<1x512xi32>
    %add3A_103 = arith.addi %convert_element_type3A_92, %convert_element_type3A_102 : vector<1x512xi32>
    %eq3A_104 = arith.constant 10 : i32
    %eq3A_105 = vector.broadcast %eq3A_104 : i32 to vector<1x512xi32>
    %eq3A_106 = arith.cmpi eq, %slice3A_59, %eq3A_105 : vector<1x512xi32>
    %eq3A_107 = arith.constant 11 : i32
    %eq3A_108 = vector.broadcast %eq3A_107 : i32 to vector<1x512xi32>
    %eq3A_109 = arith.cmpi eq, %slice3A_59, %eq3A_108 : vector<1x512xi32>
    %or3A_110 = arith.ori %eq3A_106, %eq3A_109 : vector<1x512xi1>
    %convert_element_type3A_111 = arith.extui %or3A_110 : vector<1x512xi1> to vector<1x512xi32>
    %add3A_112 = arith.addi %add3A_103, %convert_element_type3A_111 : vector<1x512xi32>
    %eq3A_113 = arith.constant 0 : i32
    %eq3A_114 = vector.broadcast %eq3A_113 : i32 to vector<1x512xi32>
    %eq3A_115 = arith.cmpi eq, %slice3A_59, %eq3A_114 : vector<1x512xi32>
    %eq3A_116 = arith.constant 1 : i32
    %eq3A_117 = vector.broadcast %eq3A_116 : i32 to vector<1x512xi32>
    %eq3A_118 = arith.cmpi eq, %slice3A_59, %eq3A_117 : vector<1x512xi32>
    %eq3A_119 = arith.constant 2 : i32
    %eq3A_120 = vector.broadcast %eq3A_119 : i32 to vector<1x512xi32>
    %eq3A_121 = arith.cmpi eq, %slice3A_59, %eq3A_120 : vector<1x512xi32>
    %jit3A = arith.constant 3 : i32
    %jit3A_122 = arith.constant 99 : i32
    %broadcast_in_dim3A_123 = vector.broadcast %jit3A : i32 to vector<1x512xi32>
    %broadcast_in_dim3A_124 = vector.broadcast %jit3A_122 : i32 to vector<1x512xi32>
    %select_n3A = arith.select %eq3A_121, %broadcast_in_dim3A_123, %broadcast_in_dim3A_124 : vector<1x512xi1>, vector<1x512xi32>
    %jit3A_125 = arith.constant 2 : i32
    %broadcast_in_dim3A_126 = vector.broadcast %jit3A_125 : i32 to vector<1x512xi32>
    %select_n3A_127 = arith.select %eq3A_118, %broadcast_in_dim3A_126, %select_n3A : vector<1x512xi1>, vector<1x512xi32>
    %jit3A_128 = arith.constant 4 : i32
    %broadcast_in_dim3A_129 = vector.broadcast %jit3A_128 : i32 to vector<1x512xi32>
    %select_n3A_130 = arith.select %eq3A_115, %broadcast_in_dim3A_129, %select_n3A_127 : vector<1x512xi1>, vector<1x512xi32>
    %le3A_131 = arith.constant 2 : i32
    %le3A_132 = vector.broadcast %le3A_131 : i32 to vector<1x512xi32>
    %le3A_133 = arith.cmpi sle, %slice3A_59, %le3A_132 : vector<1x512xi32>
    %ge3A_134 = arith.cmpi sge, %add3A_112, %select_n3A_130 : vector<1x512xi32>
    %and3A_135 = arith.andi %le3A_133, %ge3A_134 : vector<1x512xi1>
    %iota3A = tpu.iota {dimensions = array<i32: 0>} : vector<32x1xi32>
    %eq3A_136 = arith.constant 25 : i32
    %eq3A_137 = vector.broadcast %eq3A_136 : i32 to vector<32x1xi32>
    %eq3A_138 = arith.cmpi eq, %iota3A, %eq3A_137 : vector<32x1xi32>
    %and3A_139 = vector.broadcast %gt3A_58 : vector<1x512xi1> to vector<32x512xi1>
    %and3A_140 = vector.broadcast %eq3A_138 : vector<32x1xi1> to vector<32x512xi1>
    %and3A_141 = arith.andi %and3A_139, %and3A_140 : vector<32x512xi1>
    %eq3A_142 = vector.broadcast %iota3A : vector<32x1xi32> to vector<32x512xi32>
    %eq3A_143 = vector.broadcast %slice3A_59 : vector<1x512xi32> to vector<32x512xi32>
    %eq3A_144 = arith.cmpi eq, %eq3A_142, %eq3A_143 : vector<32x512xi32>
    %and3A_145 = vector.broadcast %and3A_82 : vector<1x512xi1> to vector<32x512xi1>
    %and3A_146 = arith.andi %and3A_145, %eq3A_144 : vector<32x512xi1>
    %or3A_147 = arith.ori %and3A_141, %and3A_146 : vector<32x512xi1>
    %eq3A_148 = arith.constant 10 : i32
    %eq3A_149 = vector.broadcast %eq3A_148 : i32 to vector<32x1xi32>
    %eq3A_150 = arith.cmpi eq, %iota3A, %eq3A_149 : vector<32x1xi32>
    %eq3A_151 = arith.constant 11 : i32
    %eq3A_152 = vector.broadcast %eq3A_151 : i32 to vector<32x1xi32>
    %eq3A_153 = arith.cmpi eq, %iota3A, %eq3A_152 : vector<32x1xi32>
    %or3A_154 = arith.ori %eq3A_150, %eq3A_153 : vector<32x1xi1>
    %and3A_155 = vector.broadcast %and3A_135 : vector<1x512xi1> to vector<32x512xi1>
    %and3A_156 = vector.broadcast %or3A_154 : vector<32x1xi1> to vector<32x512xi1>
    %and3A_157 = arith.andi %and3A_155, %and3A_156 : vector<32x512xi1>
    %or3A_158 = arith.ori %or3A_147, %and3A_157 : vector<32x512xi1>
    %get3A_159 = arith.constant 0 : index
    %get3A_160 = arith.constant 0 : index
    %get3A_161 = vector.load %arg2[%get3A_159, %get3A_160] : memref<32x512xf32, #tpu.memory_space<vmem>>, vector<32x512xf32>
    %jit3A_162 = arith.constant -1.000000e+09 : f32
    %jit3A_163 = arith.constant 0.000000e+00 : f32
    %broadcast_in_dim3A_164 = vector.broadcast %jit3A_162 : f32 to vector<32x512xf32>
    %broadcast_in_dim3A_165 = vector.broadcast %jit3A_163 : f32 to vector<32x512xf32>
    %select_n3A_166 = arith.select %or3A_158, %broadcast_in_dim3A_164, %broadcast_in_dim3A_165 : vector<32x512xi1>, vector<32x512xf32>
    %add3A_167 = arith.addf %get3A_161, %select_n3A_166 : vector<32x512xf32>
    %swap3A = arith.constant 0 : index
    %swap3A_168 = arith.constant 0 : index
    %swap3A_169 = vector.load %arg3[%swap3A, %swap3A_168] : memref<32x512xf32, #tpu.memory_space<vmem>>, vector<32x512xf32>
    tpu.vector_store %arg3[%swap3A, %swap3A_168], %add3A_167 {strides = array<i32>} : memref<32x512xf32, #tpu.memory_space<vmem>>, vector<32x512xf32>,
    return
  }
  func.func @transform_0(%arg0: i32) -> (i32, i32) {
    %add3A = arith.constant 24 : i32
    %add3A_0 = arith.addi %add3A, %arg0 : i32
    %c0_i32 = arith.constant 0 : i32
    %c0_i32_1 = arith.constant 0 : i32
    return %c0_i32, %add3A_0 : i32, i32
  }
  func.func @transform_1(%arg0: i32) -> (i32, i32) {
    %add3A = arith.constant 24 : i32
    %add3A_0 = arith.addi %add3A, %arg0 : i32
    %c0_i32 = arith.constant 0 : i32
    %c0_i32_1 = arith.constant 0 : i32
    return %c0_i32, %add3A_0 : i32, i32
  }
  func.func @transform_2(%arg0: i32) -> (i32, i32) {
    %c0_i32 = arith.constant 0 : i32
    %c0_i32_0 = arith.constant 0 : i32
    return %c0_i32, %arg0 : i32, i32
  }
}

</mosaic_0001>

<sc_bundles>
// kernel: kernel.4.cloned.1.call-start
scs
__scs_entry_jumppad:
0x0: {  	(pc) =	sbr.rel $0x88, $3  }
0x1: {  	(tag) =	ssettag $0x0;
	lr =	simm.s32 $0x1  }
0x2: {  	[smem:$0x3F9F] =	sst lr;
	_ =	strace $0xD0000000  }
0x3: {  	_ = 	snop  }
0x4: {  	_ = 	snop  }
0x5: {  	_ = 	snop  }
0x6: {  	_ = 	snop  }
0x7: {  	_ = 	snop  }
__scs_overlays_trampoline_lowered:
0x8: {  	[smem:$0x3FAE] =	sst s0  }
0x9: {  	[smem:$0x3FAF] =	sst s1  }
0xa: {  	[smem:$0x3FB0] =	sst s2  }
0xb: {  	[smem:$0x3FB1] =	sst s3  }
0xc: {  	[smem:$0x3FB2] =	sst s4  }
0xd: {  	[smem:$0x3FB3] =	sst s5  }
0xe: {  	[smem:$0x3FB4] =	sst s6  }
0xf: {  	[smem:$0x3FB5] =	sst s7  }
0x10: {  	[smem:$0x3FB6] =	sst s8  }
0x11: {  	[smem:$0x3FB7] =	sst s9;
	s0 =	simm.s32 @!p0 $0x0  }
0x12: {  	s1 =	sld [smem:$0x3F9D];
	s0 =	simm.s32 @p0 $0x1  }
0x13: {  	[smem:$0x3FB8] =	sst s0;
	s0 =	simm.s32 @!p1 $0x0  }
0x14: {  	s2 =	sld [smem:$0x3F9C];
	s0 =	simm.s32 @p1 $0x1  }
0x15: {  	[smem:$0x3FB9] =	sst s0;
	s0 =	simm.s32 @!p2 $0x0  }
0x16: {  	s3 =	sld [smem:$0x3FDB];
	s0 =	simm.s32 @p2 $0x1  }
0x17: {  	s4 =	simm.s32 $0x1BF5;
	[smem:$0x3FBB] =	sst s0  }
0x18: {  	s0 =	sld [smem:$0x3F9E];
	_ =	swait.ge [sflag:s4], $0x0  }
0x19: {  	s7 =	sld [smem:$0x3F9F]  }
0x1a: {  	s8 =	sadd.s32 $0xFFFFE003, lr  }
0x1b: {  	s9 =	sadd.s32 $0xFFFFFEF7, lr;
	s5 =	simm.s32 $0xFFFFFFFF;
	p2 =	slt.u32 s8, $0xFFFFF086  }
0x1c: {  	p1 =	slt.u32 s9, $0xF7A;
	s5 =	simm.s32 @!p2 $0x0  }
0x1d: {  	s5 =	simm.s32 @p1 $0x1;
	p0 =	seq.s32 s7, s2  }
0x1e: {  	s7 =	smul.u32 @!p0 $0xF7A, s2;
	p2 =	seq.s32 @!p0 s5, $0x0  }
0x1f: {  	s9 =	smul.u32 $0xF7A, s1;
	s8 =	simm.s32 @!p0 $0x1BF5;
	p2 =	por !p2, p0  }
0x20: {  	[sflag:s8] =	ssyncset.s32 @!p0 $0xFFFFF086;
	s6 =	sadd.s32 @!p0 s3, s7;
	s7 =	simm.s32 @!p0 $0x108  }
0x21: {  	s3 =	sadd.s32 s3, s9;
	s6 =	sadd.s32 @!p0 $0x88, s6;
	s7 =	simm.s32 @p2 $0x1082  }
0x22: {  	[simem:s7], [sflag:s8] =	dma.local @!p0 [hbm:s6], $0xF7A  }
0x23: {  	s9 =	sor.u32 $0xD0000000, s2;
	s6 =	simm.s32 $0x108;
	_ =	swait.ge @!p0 [sflag:s8], $0x0  }
0x24: {  	s3 =	sadd.s32 $0x88, s3;
	s6 =	simm.s32 @!p1 $0x1082;
	[sflag:s4] =	ssyncset.s32 $0xFFFFF086  }
0x25: {  	[simem:s6], [sflag:s4] =	dma.local [hbm:s3], $0xF7A  }
0x26: {  	[smem:$0x3F9F] =	sst s1;
	(tag) =	ssettag s2;
	_ =	strace s9  }
0x27: {  	s1 =	sld [smem:$0x3FAF]  }
0x28: {  	s2 =	sld [smem:$0x3FB0]  }
0x29: {  	s4 =	sld [smem:$0x3FB2]  }
0x2a: {  	p0 =	seq.s32 s5, $0x0;
	s5 =	sld [smem:$0x3FB3]  }
0x2b: {  	s6 =	sld [smem:$0x3FB4]  }
0x2c: {  	s7 =	sld [smem:$0x3FB5]  }
0x2d: {  	s3 =	simm.s32 $0x108;
	s8 =	sld [smem:$0x3FB6]  }
0x2e: {  	s3 =	simm.s32 @!p0 $0x1082;
	s9 =	sld [smem:$0x3FB7]  }
0x2f: {  	lr =	sadd.s32 s0, s3;
	s0 =	sld [smem:$0x3FAE]  }
0x30: {  	s3 =	sld [smem:$0x3FB1]  }
0x31: {  	[smem:$0x3FBA] =	sst s10  }
0x32: {  	s10 =	sld [smem:$0x3FB8];
	_ =	sdelay $0x3  }
0x33: {  	p0 =	seq.s32 s10, $0x1;
	s10 =	sld [smem:$0x3FBA];
	_ =	sdelay $0x3  }
0x34: {  	[smem:$0x3FBA] =	sst s10  }
0x35: {  	s10 =	sld [smem:$0x3FB9];
	_ =	sdelay $0x3  }
0x36: {  	p1 =	seq.s32 s10, $0x1;
	s10 =	sld [smem:$0x3FBA];
	_ =	sdelay $0x3  }
0x37: {  	[smem:$0x3FBA] =	sst s10  }
0x38: {  	s10 =	sld [smem:$0x3FBB]  }
0x39: {  	_ = 	snop;
	(pc) =	sbr.ind lr, $3  }
0x3a: {  	_ = 	snop  }
0x3b: {  	_ = 	snop  }
0x3c: {  	p2 =	seq.s32 s10, $0x1;
	s10 =	sld [smem:$0x3FBA]  }
0x3d: {  	_ =	shalt  }
0x3e: {  	_ =	shalt  }
0x3f: {  	_ =	shalt  }
0x40: {  	_ =	shalt  }
0x41: {  	_ =	shalt  }
0x42: {  	_ =	shalt  }
0x43: {  	_ =	shalt  }
0x44: {  	_ =	shalt  }
0x45: {  	_ =	shalt  }
0x46: {  	_ =	shalt  }
0x47: {  	_ =	shalt  }
0x48: {  	_ =	shalt  }
0x49: {  	_ =	shalt  }
0x4a: {  	_ =	shalt  }
0x4b: {  	_ =	shalt  }
0x4c: {  	_ =	shalt  }
0x4d: {  	_ =	shalt  }
0x4e: {  	_ =	shalt  }
0x4f: {  	_ =	shalt  }
0x50: {  	_ =	shalt  }
0x51: {  	_ =	shalt  }
0x52: {  	_ =	shalt  }
0x53: {  	_ =	shalt  }
0x54: {  	_ =	shalt  }
0x55: {  	_ =	shalt  }
0x56: {  	_ =	shalt  }
0x57: {  	_ =	shalt  }
0x58: {  	_ =	shalt  }
0x59: {  	_ =	shalt  }
0x5a: {  	_ =	shalt  }
0x5b: {  	_ =	shalt  }
0x5c: {  	_ =	shalt  }
0x5d: {  	_ =	shalt  }
0x5e: {  	_ =	shalt  }
0x5f: {  	_ =	shalt  }
0x60: {  	_ =	shalt  }
0x61: {  	_ =	shalt  }
0x62: {  	_ =	shalt  }
0x63: {  	_ =	shalt  }
0x64: {  	_ =	shalt  }
0x65: {  	_ =	shalt  }
0x66: {  	_ =	shalt  }
0x67: {  	_ =	shalt  }
0x68: {  	_ =	shalt  }
0x69: {  	_ =	shalt  }
0x6a: {  	_ =	shalt  }
0x6b: {  	_ =	shalt  }
0x6c: {  	_ =	shalt  }
0x6d: {  	_ =	shalt  }
0x6e: {  	_ =	shalt  }
0x6f: {  	_ =	shalt  }
0x70: {  	_ =	shalt  }
0x71: {  	_ =	shalt  }
0x72: {  	_ =	shalt  }
0x73: {  	_ =	shalt  }
0x74: {  	_ =	shalt  }
0x75: {  	_ =	shalt  }
0x76: {  	_ =	shalt  }
0x77: {  	_ =	shalt  }
0x78: {  	_ =	shalt  }
0x79: {  	_ =	shalt  }
0x7a: {  	_ =	shalt  }
0x7b: {  	_ =	shalt  }
0x7c: {  	_ =	shalt  }
0x7d: {  	_ =	shalt  }
0x7e: {  	_ =	shalt  }
0x7f: {  	_ =	shalt  }
0x80: {  	_ =	shalt  }
0x81: {  	_ =	shalt  }
0x82: {  	_ =	shalt  }
0x83: {  	_ =	shalt  }
0x84: {  	_ =	shalt  }
0x85: {  	_ =	shalt  }
0x86: {  	_ =	shalt  }
0x87: {  	_ =	shalt  }
.Lfunc_end0:
.L_simem_size_0:
called_computation_lowered:
.L_overlay_start_0:
0x88: {  	s2 =	sld [smem:$0x3FD9]  }
0x89: {  	s3 =	sld [smem:$0x3FFE];
	_ =	sdelay $0x1  }
0x8a: {  	s1 =	srdreg.scid  }
0x8b: {  	s0 =	sand.u32 $0x1, s1  }
0x8c: {  	s18 =	sshll.u32 s0, $0xA;
	s2 =	sadd.s32 s3, s2  }
0x8d: {  	s2 =	sadd.s32 s2, s18  }
0x8e: {  	[smem:$0x3FC6] =	sst s2  }
0x8f: {  	_ = 	snop  }
0x90: {  	s2 =	sld [smem:$0x3FC9]  }
0x91: {  	s19 =	sld [smem:$0x3FC8]  }
0x92: {  	s4 =	sld [smem:$0x3FD0];
	(tm) =	ssettm $0x1  }
0x93: {  	s5 =	sld [smem:$0x3FFB];
	_ =	sdelay $0x3  }
0x94: {  	_ =	strace s5  }
0x95: {  	s5 =	sld [smem:$0x3FFC];
	_ =	sdelay $0x3  }
0x96: {  	_ =	strace s5  }
0x97: {  	s5 =	sld [smem:$0x3FFD];
	_ =	sdelay $0x3  }
0x98: {  	_ =	strace s5  }
0x99: {  	_ =	strace $0x8FFFFFFF  }
0x9a: {  	s20 =	sld [smem:$0x3FDB];
	_ =	sdelay $0x1  }
0x9b: {  	s6 =	simm.s32 $_scs_section_size  }
0x9c: {  	s7 =	simm.s32 $_size__tile_overlayer_lowered;
	s8 =	simm.s32 $_tile_overlayer_lowered  }
0x9d: {  	s23 =	simm.s32 $0x1BFF;
	s22 =	sshll.u32 s8, $0x1;
	s5 =	sadd.s32 s6, s20  }
0x9e: {  	s9 =	simm.s32 $0x0;
	s21 =	sshll.u32 s7, $0x1;
	s7 =	sadd.s32 s22, s5  }
0x9f: {  	[timem:s9], [sflag:s23] =	dma.local [hbm:s7], s21  }
0xa0: {  	_ =	swait.ge [sflag:s23], s21  }
0xa1: {  	s6 =	ssub.s32 $0x0, s21;
	[sflag:s23] =	ssyncset.done $0x0  }
0xa2: {  	[sflag:s23] =	ssyncadd.s32 s6;
	_ =	sdelay $0x1  }
0xa3: {  	s24 =	simm.s32 $0x1B8B  }
0xa4: {  	_ =	swait.ge [sflag:s24], $0x1  }
0xa5: {  	[sflag:s24] =	ssyncset.done $0x0  }
0xa6: {  	s25 =	simm.s32 $0x1B8E;
	[sflag:s24] =	ssyncadd.s32 $0xFFFFFFFF  }
0xa7: {  	s26 =	simm.s32 $execute0_lowered;
	[smem:$0x3FD2] =	sst s25  }
0xa8: {  	s6 =	sshll.u32 s26, $0x1;
	_ =	strace $0x80000046;
	[dreg:$0x1] =	wrdreg $0xFFFFFFFF  }
0xa9: {  	s28 =	simm.s32 $_size_execute0_lowered;
	s5 =	sadd.s32 s5, s6;
	[dreg:$0x0] =	wrdreg $0x0  }
0xaa: {  	s6 =	sshll.u32 s28, $0x1;
	[dreg:$0x2] =	wrdreg s5  }
0xab: {  	[dreg:$0x3] =	wrdreg s6  }
0xac: {  	[dreg:$0x4] =	wrdreg $0xC0  }
0xad: {  	_ =	task [dreg:s9], $0x5FFFF  }
0xae: {  	[dreg:$0x1] =	wrdreg $0xFFFFFFFF  }
0xaf: {  	[dreg:$0x0] =	wrdreg $0x60  }
0xb0: {  	[dreg:$0x2] =	wrdreg s19  }
0xb1: {  	[dreg:$0x3] =	wrdreg s2  }
0xb2: {  	[dreg:$0x4] =	wrdreg s4  }
0xb3: {  	[dreg:$0x5] =	wrdreg $0x9  }
0xb4: {  	_ =	task.clear_ibuf [dreg:s9], $0x6FFFF;
	_ =	strace $0x90000046  }
0xb5: {  	s29 =	simm.s32 $0x9;
	_ =	strace $0x80000048  }
0xb6: {  	_ =	swait.ge [sflag:s29], $0x1  }
0xb7: {  	[sflag:s29] =	ssyncadd.s32 $0xFFFFFFFF  }
0xb8: {  	_ =	strace $0x90000048  }
0xb9: {  	_ =	sfence  }
0xba: {  	s30 =	sld [smem:$0x0];
	_ =	sdelay $0x2  }
0xbb: {  	s31 =	sshll.u32 s1, $0xD;
	s1 =	sshrl.u32 s1, $0x2  }
0xbc: {  	s3 =	sand.u32 $0x4000, s31;
	s1 =	sadd.s32 s1, s30  }
0xbd: {  	s0 =	sor.u32 s3, s0;
	s1 =	sshll.u32 s1, $0x11  }
0xbe: {  	s0 =	sor.u32 s1, s0  }
0xbf: {  	s0 =	sadd.s32 $0x8F2B, s0  }
0xc0: {  	[sflag:s0] =	ssyncadd.remote.s32 $0x1  }
0xc1: {  	_ =	sfence.sel $0xFFFF  }
0xc2: {  	[dreg:$0x0] =	wrdreg $0xFFFFFFFF;
	(pc) =	sbr.abs _section_cstart, $3  }
0xc3: {  	[dreg:$0x1] =	wrdreg $0xFFFFFFFF  }
0xc4: {  	_ =	task.clear_ibuf [dreg:s9], $0x2FFFF;
	_ =	strace $0x9FFFFFFF  }
0xc5: {  	(tm) =	ssettm $0x7FFFFFFF  }
tec
execute0_lowered:
.L_overlay_start_1:
0x0: {  	(tag) =	ssettag $0x1  }
0x1: {  	s1 =	rddreg [dreg:$0x0]  }
0x2: {  	s2 =	srdreg.scid;
	s9 =	rddreg [dreg:$0x1]  }
0x3: {  	s0 =	stileid.u32;
	s11 =	rddreg [dreg:$0x2];
	s14 =	simm.s32 $0x20000  }
0x4: {  	s15 =	simm.s32 $0xC800;
	s16 =	simm.s32 $0x1;
	s17 =	simm.s32 $0x3  }
0x5: {  	s18 =	simm.s32 $0x6400;
	s19 =	simm.s32 $0xD800;
	s20 =	simm.s32 $0xE800  }
0x6: {  	s21 =	simm.s32 $0x2;
	s3 =	sand.u32 $0x1, s2;
	s31 =	sshll.u32 s0, $0x1  }
0x7: {  	s22 =	simm.s32 $0x4;
	s23 =	simm.s32 $0x5;
	s4 =	sor.u32 s3, s31  }
0x8: {  	s24 =	simm.s32 $0x6;
	s2 =	simm.s32 $0x0;
	s5 =	smul.u32 $0xC00, s4  }
0x9: {  	[smem:$0x7FF] =	sst s2;
	s3 =	ssub.s32 $0x2, s3;
	s7 =	smul.u32 $0x180, s4  }
0xa: {  	s25 =	simm.s32 $0x0;
	s6 =	sshrl.u32 s3, $0x1;
	_ =	strace $0x80000047  }
0xb: {  	s12 =	ssub.s32 s3, s6;
	s8 =	sshrl.u32 s5, $0x3;
	s3 =	sadd.s32 s1, s7  }
0xc: {  	v0 =	vimm.s32 $0xFF01FF01;
	vm0 =	vcmask $0x2718;
	v1 =	vimm.s32 $0x0;
	s4 =	sadd.s32 s9, s7;
	s7 =	sadd.s32 s11, s7;
	s10 =	sadd.s32 $0x80, s8  }
0xd: {  	v2 =	vlaneseq.u32;
	v3 =	vimm.s32 $0xE;
	v0 =	vunpack.c.0.s8.s32 v0;
	s12 =	smax.u32 s12, $0x1;
	s13 =	sadd.s32 $0x100, s8;
	s5 =	sadd.s32 s1, s10  }
0xe: {  	v4 =	vimm.s32 $0x63;
	v6 =	vimm.f32 $-1.000000000e+09;
	v5 =	vor.u32 $0xC80, v2;
	s6 =	sadd.s32 s9, s10;
	s8 =	sadd.s32 s1, s13;
	s9 =	sadd.s32 s9, s13  }
0xf: {  	v7 =	vor.u32 $0x500, v2;
	v8 =	vor.u32 $0x580, v2;
	v0 =	vnsel vm0, $0x0, v0;
	s10 =	sadd.s32 s11, s10;
	s11 =	sadd.s32 s11, s13;
	s13 =	simm.s32 $0x400  }
.LBB2_1:
0x10: {  	[tilespmem:$0xE800] =	vst v0  }
0x11: {  	[tilespmem:$0xE810] =	vst v1  }
0x12: {  	[tilespmem:s2], [sflag:$0x1] =	stream.strided.gather [hbm4b:s3+s13], $0x6400, s14, s13, $0x38;
	[tilespmem:$0xE880] =	vst v63  }
0x13: {  	_ = 	snop  }
0x14: {  	[tilespmem:s15], [sflag:$0x3] =	stream.strided.gather [hbm4b:s4+s13], $0x1000, s14, s13, $0x38;
	[tilespmem:$0xE880] =	vst v63  }
0x15: {  	_ =	swait.ge [sflag:s16], $0x6400  }
0x16: {  	[sflag:s16] =	ssyncset.done $0x0  }
0x17: {  	[sflag:s16] =	ssyncadd.s32 $0xFFFF9C00  }
0x18: {  	_ =	swait.ge [sflag:s17], $0x1000  }
0x19: {  	[sflag:s17] =	ssyncset.done $0x0  }
0x1a: {  	[sflag:s17] =	ssyncadd.s32 $0xFFFFF000  }
0x1b: {  	[tilespmem:s18], [sflag:$0x2] =	stream.strided.gather [hbm4b:s5+s13], $0x6400, s14, s13, $0x38;
	[tilespmem:$0xE880] =	vst v63  }
0x1c: {  	s26 =	simm.s32 $0x100;
	s28 =	simm.s32 $0x0  }
0x1d: {  	[tilespmem:s19], [sflag:$0x4] =	stream.strided.gather [hbm4b:s6+s13], $0x1000, s14, s13, $0x38;
	[tilespmem:$0xE880] =	vst v63  }
.LBB2_2:
0x1e: {  	v11 =	vmov s26;
	_ =	sdelay $0x1  }
0x1f: {  	s29 =	sshll.u32 s28, $0x5  }
0x20: {  	v10 =	vld [tilespmem:s29+$0x6380]  }
0x21: {  	s1 =	simm.s32 $0x0;
	v9 =	vld [tilespmem:s29+$0x6390]  }
0x22: {  	v13 =	vld.idx.msk [tilespmem:v11+s1+$0xFFFFFF00 ss:$0x1], $0xffff  }
0x23: {  	v14 =	vld.idx.msk [tilespmem:v11+s1+$0xFFFFFF10 ss:$0x1], $0xffff  }
0x24: {  	v15 =	vld.idx.msk [tilespmem:v11+s1+$0xFFFFFF80 ss:$0x1], $0xffff  }
0x25: {  	v16 =	vld.idx.msk [tilespmem:v11+s1+$0xFFFFFF90 ss:$0x1], $0xffff  }
0x26: {  	v18 =	vimm.s32 $0xFFFFFFFF;
	v17 =	vld.idx.msk [tilespmem:v11+s1+$0x80 ss:$0x1], $0xffff  }
0x27: {  	vm0 =	veq.s32 v18, v10;
	vm2 =	veq.s32 v18, v9;
	v18 =	vld.idx.msk [tilespmem:v11+s1+$0x10 ss:$0x1], $0xffff;
	_ =	sdelay $0x1  }
0x28: {  	v12 =	vimm.s32 $0x0;
	v19 =	vld.idx.msk [tilespmem:v11+s1+$0x0 ss:$0x1], $0xffff;
	vm3 =	veq.s32 v13, v10  }
0x29: {  	vm5 =	veq.s32 v14, v9;
	vm1 =	veq.s32 v13, v3;
	vm6 =	veq.s32 v14, v3;
	v20 =	vld.idx.msk [tilespmem:v13+s20+$0x0], $0xffff  }
0x2a: {  	vm7 =	veq.s32 v15, v10;
	vm8 =	veq.s32 v16, v9;
	vm9 =	veq.s32 v17, v3;
	v13 =	vld.idx.msk [tilespmem:v14+s20+$0x0], $0xffff  }
0x2b: {  	vm1 =	vmand vm0, vm1;
	vm0 =	veq.s32 v15, v3;
	vm10 =	veq.s32 v18, v9;
	v14 =	vld.idx.msk [tilespmem:v11+s1+$0x90 ss:$0x1], $0xffff  }
0x2c: {  	vm4 =	vmand vm3, vm0;
	vm3 =	veq.s32 v16, v3;
	vm0 =	veq.s32 v17, v10  }
0x2d: {  	vm5 =	vmand vm5, vm3;
	v21 =	vld.idx.msk [tilespmem:v15+s20+$0x0], $0xffff;
	vm3 =	vmand vm2, vm6;
	vm2 =	veq.s32 v19, v3  }
0x2e: {  	vm6 =	veq.s32 v19, v10;
	v22 =	vld.idx.msk [tilespmem:v16+s20+$0x0], $0xffff;
	vm2 =	vmand vm7, vm2;
	vm7 =	veq.s32 v18, v3  }
0x2f: {  	vm6 =	vmand vm6, vm9;
	vm7 =	vmand vm8, vm7;
	v15 =	vadd.s32 v12, v20  }
0x30: {  	v16 =	vld.idx.msk [tilespmem:v19+s20+$0x0], $0xffff;
	vm6 =	vmor vm6, vm2;
	v13 =	vadd.s32 v12, v13;
	vm2 =	vgt.s32 v15, $0x0  }
0x31: {  	v18 =	vld.idx.msk [tilespmem:v18+s20+$0x0], $0xffff;
	vm9 =	veq.s32 v14, v3;
	vm8 =	vgt.s32 v13, $0x0;
	v19 =	vnsel vm2, $0x0, v15  }
0x32: {  	v13 =	vnsel vm8, $0x0, v13;
	v15 =	vld.idx.msk [tilespmem:v17+s20+$0x0], $0xffff;
	vm2 =	vmand vm10, vm9;
	v19 =	vadd.s32 v19, v21  }
0x33: {  	s31 =	simm.s32 $0x200;
	v20 =	vadd.s32 v13, v22;
	v17 =	vld.idx.msk [tilespmem:v14+s20+$0x0], $0xffff;
	vm7 =	vmor vm2, vm7;
	vm2 =	veq.s32 v14, v9  }
0x34: {  	s30 =	sor.u32 $0x10, s29;
	s1 =	simm.s32 $0x1000;
	v14 =	vld.idx.msk [tilespmem:v11+s31+$0xFFFFFF00 ss:$0x1], $0xffff;
	v13 =	vimm.s32 $0x0;
	vm8 =	vgt.s32 v19, $0x0;
	vm9 =	vgt.s32 v20, $0x0  }
.LBB2_3:
0x35: {  	p0 =	sne.s32 s1, $0x18800;
	v21 =	vld.idx.msk [tilespmem:v11+s31+$0xFFFFFF10 ss:$0x1], $0xffff;
	v19 =	vnsel vm8, $0x0, v19;
	v20 =	vnsel vm9, $0x0, v20;
	vm4 =	vmor vm6, vm4  }
0x36: {  	vm5 =	vmor vm7, vm5;
	v16 =	vadd.s32 v19, v16;
	v18 =	vadd.s32 v20, v18  }
0x37: {  	vm1 =	vmor vm4, vm1;
	v19 =	vld.idx.msk [tilespmem:v11+s31+$0xFFFFFF80 ss:$0x1], $0xffff;
	vm6 =	vgt.s32 v16, $0x0;
	vm7 =	vgt.s32 v18, $0x0  }
0x38: {  	vm3 =	vmor vm5, vm3;
	v20 =	vld.idx.msk [tilespmem:v11+s31+$0xFFFFFF90 ss:$0x1], $0xffff;
	v16 =	vnsel vm6, $0x0, v16;
	v18 =	vnsel vm7, $0x0, v18  }
0x39: {  	v12 =	vsel vm1, $0x1, v12;
	v22 =	vld.idx.msk [tilespmem:v11+s31+$0x80 ss:$0x1], $0xffff;
	v15 =	vadd.s32 v16, v15;
	v16 =	vadd.s32 v18, v17  }
0x3a: {  	vm4 =	veq.s32 v14, v10;
	v17 =	vld.idx.msk [tilespmem:v11+s31+$0x0 ss:$0x1], $0xffff;
	vm1 =	vgt.s32 v15, $0x0;
	vm5 =	vgt.s32 v16, $0x0  }
0x3b: {  	vm6 =	veq.s32 v21, v9;
	v18 =	vld.idx.msk [tilespmem:v11+s31+$0x10 ss:$0x1], $0xffff;
	v15 =	vnsel vm1, $0x0, v15;
	v23 =	vnsel vm5, $0x0, v16  }
0x3c: {  	v13 =	vsel vm3, $0x1, v13;
	vm7 =	veq.s32 v21, v3;
	vm1 =	veq.s32 v14, v3;
	v24 =	vld.idx.msk [tilespmem:v14+s20+$0x0], $0xffff  }
0x3d: {  	vm1 =	vmand vm0, vm1;
	vm0 =	veq.s32 v19, v3;
	vm8 =	veq.s32 v19, v10;
	v14 =	vld.idx.msk [tilespmem:v21+s20+$0x0], $0xffff  }
0x3e: {  	vm4 =	vmand vm4, vm0;
	vm3 =	veq.s32 v20, v3;
	vm9 =	veq.s32 v20, v9;
	v21 =	vld.idx.msk [tilespmem:v11+s31+$0x90 ss:$0x1], $0xffff  }
0x3f: {  	vm0 =	veq.s32 v22, v10;
	vm5 =	vmand vm6, vm3;
	vm6 =	veq.s32 v22, v3;
	v19 =	vld.idx.msk [tilespmem:v19+s20+$0x0], $0xffff  }
0x40: {  	vm3 =	vmand vm2, vm7;
	vm2 =	veq.s32 v17, v3;
	vm7 =	veq.s32 v17, v10;
	v20 =	vld.idx.msk [tilespmem:v20+s20+$0x0], $0xffff  }
0x41: {  	vm2 =	vmand vm8, vm2;
	vm8 =	veq.s32 v18, v3;
	vm10 =	veq.s32 v18, v9  }
0x42: {  	vm6 =	vmand vm7, vm6;
	vm8 =	vmand vm9, vm8;
	v16 =	vld.idx.msk [tilespmem:v17+s20+$0x0], $0xffff  }
.Ltmp0:
0x43: {  	v15 =	vadd.s32 v15, v24;
	vm6 =	vmor vm6, vm2;
	v14 =	vadd.s32 v23, v14;
	v18 =	vld.idx.msk [tilespmem:v18+s20+$0x0], $0xffff;
	(pc) =	sbr.rel @p0 .LBB2_3-.Ltmp0, $4  }
0x44: {  	vm2 =	vgt.s32 v15, $0x0;
	vm7 =	vgt.s32 v14, $0x0;
	vm9 =	veq.s32 v21, v3  }
0x45: {  	v17 =	vnsel vm2, $0x0, v15;
	v14 =	vnsel vm7, $0x0, v14;
	vm2 =	vmand vm10, vm9;
	v15 =	vld.idx.msk [tilespmem:v22+s20+$0x0], $0xffff  }
0x46: {  	s31 =	sshra.s32 s1, $0x2;
	v19 =	vadd.s32 v17, v19;
	v20 =	vadd.s32 v14, v20;
	vm7 =	vmor vm2, vm8;
	v17 =	vld.idx.msk [tilespmem:v21+s20+$0x0], $0xffff  }
0x47: {  	s1 =	sadd.s32 $0x800, s1;
	vm2 =	veq.s32 v21, v9;
	vm8 =	vgt.s32 v19, $0x0;
	vm9 =	vgt.s32 v20, $0x0;
	v14 =	vld.idx.msk [tilespmem:v11+s31+$0xFFFFFF00 ss:$0x1], $0xffff  }
0x48: {  	_ =	sdelay $0x3  }
0x49: {  	v21 =	vld.idx.msk [tilespmem:v11+s31+$0xFFFFFF10 ss:$0x1], $0xffff;
	v19 =	vnsel vm8, $0x0, v19;
	v20 =	vnsel vm9, $0x0, v20  }
0x4a: {  	vm4 =	vmor vm6, vm4;
	vm5 =	vmor vm7, vm5;
	v32 =	vld.idx.msk [tilespmem:v11+s31+$0xFFFFFF80 ss:$0x1], $0xffff;
	v43 =	vadd.s32 $0xFFFFFFF1, v10  }
0x4b: {  	v33 =	vld.idx.msk [tilespmem:v11+s31+$0xFFFFFF90 ss:$0x1], $0xffff;
	v46 =	vand.u32 $0xFFFFFFFE, v10;
	v53 =	vor.u32 s29, v5;
	v54 =	vadd.s32 $0xFFFFFFF1, v9  }
0x4c: {  	v35 =	vld.idx.msk [tilespmem:v11+s31+$0x0 ss:$0x1], $0xffff;
	v55 =	vor.u32 s29, v7;
	v58 =	vand.u32 $0xFFFFFFFE, v9;
	v16 =	vadd.s32 v19, v16  }
0x4d: {  	v40 =	vld [tilespmem:s29+$0x6280];
	v18 =	vadd.s32 v20, v18;
	vm1 =	vmor vm4, vm1;
	vm3 =	vmor vm5, vm3  }
0x4e: {  	v41 =	vld [tilespmem:s29+$0x6300];
	vm15 =	vgt.s32 v16, $0x0;
	vm9 =	vgt.s32 v18, $0x0;
	v12 =	vsel vm1, $0x1, v12  }
0x4f: {  	v50 =	vld [tilespmem:s30+$0x6280];
	v13 =	vsel vm3, $0x1, v13;
	v16 =	vnsel vm15, $0x0, v16;
	v18 =	vnsel vm9, $0x0, v18  }
0x50: {  	v52 =	vld [tilespmem:s30+$0x6300];
	v15 =	vadd.s32 v16, v15;
	v34 =	vadd.s32 v18, v17;
	vm10 =	veq.s32 v14, v10  }
0x51: {  	vm14 =	veq.s32 v14, v3;
	vm12 =	vgt.s32 v15, $0x0;
	vm13 =	vgt.s32 v34, $0x0  }
0x52: {  	vm6 =	veq.s32 v21, v9;
	vm15 =	veq.s32 v21, v3;
	vm0 =	vmand vm0, vm14  }
0x53: {  	v22 =	vld.idx.msk [tilespmem:v11+s31+$0x80 ss:$0x1], $0xffff;
	vm11 =	veq.s32 v32, v3;
	vm8 =	veq.s32 v33, v9;
	vm14 =	veq.s32 v35, v3  }
0x54: {  	v36 =	vld.idx.msk [tilespmem:v11+s31+$0x10 ss:$0x1], $0xffff;
	v42 =	vand.u32 $0xFFFFFFFE, v40;
	v44 =	vand.u32 $0xFFFFFFFE, v41;
	v56 =	vand.u32 $0xFFFFFFFE, v50  }
0x55: {  	v11 =	vld.idx.msk [tilespmem:v11+s31+$0x90 ss:$0x1], $0xffff;
	v57 =	vand.u32 $0xFFFFFFFE, v52;
	v15 =	vnsel vm12, $0x0, v15;
	v16 =	vnsel vm13, $0x0, v34  }
0x56: {  	v23 =	vld.idx.msk [tilespmem:v14+s20+$0x0], $0xffff;
	vm12 =	veq.s32 v32, v10;
	vm3 =	vmand vm10, vm11;
	vm13 =	veq.s32 v33, v3  }
0x57: {  	vm1 =	vmand vm2, vm15;
	vm15 =	veq.s32 v35, v10;
	vm11 =	veq.s32 v42, $0xA  }
0x58: {  	vm4 =	vmand vm6, vm13;
	vm6 =	veq.s32 v22, v3;
	vm2 =	vmand vm12, vm14;
	v37 =	vld.idx.msk [tilespmem:v21+s20+$0x0], $0xffff  }
0x59: {  	vm12 =	veq.s32 v36, v3;
	vm13 =	veq.s32 v36, v9;
	v45 =	vsel vm11, $0x1, v1;
	v19 =	vld.idx.msk [tilespmem:v32+s20+$0x0], $0xffff  }
0x5a: {  	vm7 =	vmand vm8, vm12;
	vm5 =	vmand vm15, vm6;
	vm12 =	veq.s32 v11, v3  }
0x5b: {  	v15 =	vadd.s32 v15, v23;
	vm2 =	vmor vm5, vm2;
	vm5 =	vmand vm13, vm12  }
0x5c: {  	v20 =	vld.idx.msk [tilespmem:v33+s20+$0x0], $0xffff;
	vm12 =	veq.s32 v44, $0xA;
	vm14 =	vgt.s32 v15, $0x0;
	vm5 =	vmor vm5, vm7  }
0x5d: {  	v17 =	vld.idx.msk [tilespmem:v35+s20+$0x0], $0xffff;
	vm2 =	vmor vm2, vm3;
	v47 =	vsel vm12, $0x1, v1;
	v15 =	vnsel vm14, $0x0, v15  }
0x5e: {  	vm0 =	vmor vm2, vm0;
	v14 =	vadd.s32 v16, v37;
	v15 =	vadd.s32 v15, v19  }
0x5f: {  	v12 =	vsel vm0, $0x1, v12;
	vm15 =	vgt.s32 v14, $0x0;
	vm13 =	vgt.s32 v15, $0x0  }
0x60: {  	v38 =	vld.idx.msk [tilespmem:v36+s20+$0x0], $0xffff;
	vm2 =	vne.s32 v12, $0x0;
	v14 =	vnsel vm15, $0x0, v14;
	v15 =	vnsel vm13, $0x0, v15  }
0x61: {  	v39 =	vld.idx.msk [tilespmem:v22+s20+$0x0], $0xffff;
	vm15 =	vmor vm5, vm4;
	vm13 =	veq.s32 v46, $0xA;
	v14 =	vadd.s32 v14, v20  }
0x62: {  	v15 =	vadd.s32 v15, v17;
	vm10 =	vmor vm15, vm1;
	v12 =	vsel vm13, $0x1, v1  }
0x63: {  	vm15 =	veq.s32 v10, $0x1;
	vm13 =	vlt.u32 v54, $0xA;
	vm14 =	vgt.s32 v14, $0x0  }
0x64: {  	vm8 =	vgt.s32 v15, $0x0;
	v12 =	vadd.s32 v12, v45;
	v14 =	vnsel vm14, $0x0, v14  }
0x65: {  	v11 =	vld.idx.msk [tilespmem:v11+s20+$0x0], $0xffff;
	v15 =	vnsel vm8, $0x0, v15;
	vm14 =	veq.s32 v10, $0x2;
	vm8 =	veq.s32 v10, $0x0  }
0x66: {  	v12 =	vadd.s32 v47, v12;
	v14 =	vadd.s32 v14, v38;
	v15 =	vadd.s32 v15, v39  }
0x67: {  	v48 =	vsel vm14, $0x3, v4;
	vm14 =	veq.s32 v56, $0xA;
	vm9 =	vgt.s32 v14, $0x0  }
0x68: {  	vm1 =	vgt.s32 v15, $0x0;
	v49 =	vsel vm15, $0x2, v48;
	v59 =	vsel vm14, $0x1, v1  }
0x69: {  	vm15 =	veq.s32 v57, $0xA;
	v14 =	vnsel vm9, $0x0, v14;
	v51 =	vsel vm8, $0x4, v49  }
0x6a: {  	vm9 =	vlt.u32 v43, $0xA;
	v11 =	vadd.s32 v14, v11;
	vm11 =	vge.u32 v12, v51  }
0x6b: {  	vm3 =	vmand vm9, vm2;
	vm9 =	veq.s32 v58, $0xA;
	vm0 =	vgt.s32 v11, $0x0  }
0x6c: {  	v11 =	vsel vm10, $0x1, v13;
	vm10 =	vlt.s32 v10, $0x3;
	v10 =	vshll.u32 v10, $0x7  }
0x6d: {  	v13 =	vsel vm15, $0x1, v1;
	v14 =	vsel vm9, $0x1, v1;
	vm2 =	vmand vm10, vm11  }
0x6e: {  	v10 =	vadd.s32 s29, v10;
	vm12 =	vne.s32 v11, $0x0;
	v11 =	vor.u32 s29, v8  }
0x6f: {  	vm10 =	veq.s32 v9, $0x2;
	v14 =	vadd.s32 v14, v59;
	vm11 =	veq.s32 v9, $0x1  }
0x70: {  	v10 =	vadd.s32 v2, v10;
	vm4 =	vmand vm13, vm12;
	v60 =	vsel vm10, $0x3, v4  }
0x71: {  	v13 =	vadd.s32 v13, v14;
	vm12 =	veq.s32 v9, $0x0;
	v61 =	vsel vm11, $0x2, v60  }
0x72: {  	vm13 =	vlt.s32 v9, $0x3;
	v9 =	vshll.u32 v9, $0x7;
	v14 =	vsel vm12, $0x4, v61  }
0x73: {  	v62 =	vor.u32 s30, v5;
	v9 =	vadd.s32 s30, v9;
	vm14 =	vge.u32 v13, v14  }
0x74: {  	[tilespmem:v53+s15+$0x0] =	vst.idx.add.f32.msk vm1, v6;
	v9 =	vadd.s32 v2, v9;
	vm15 =	vmand vm13, vm14  }
0x75: {  	s28 =	sadd.s32 $0x1, s28;
	[tilespmem:v10+s15+$0x0] =	vst.idx.add.f32.msk vm3, v6;
	v10 =	vor.u32 s30, v7  }
0x76: {  	v63 =	vor.u32 s30, v8;
	p0 =	sne.s32 s28, $0x4;
	[tilespmem:v55+s15+$0x0] =	vst.idx.add.f32.msk vm2, v6  }
.Ltmp1:
0x77: {  	[tilespmem:v11+s15+$0x0] =	vst.idx.add.f32.msk vm2, v6;
	(pc) =	sbr.rel @p0 .LBB2_2-.Ltmp1, $4  }
0x78: {  	[tilespmem:v62+s15+$0x0] =	vst.idx.add.f32.msk vm0, v6  }
0x79: {  	[tilespmem:v9+s15+$0x0] =	vst.idx.add.f32.msk vm4, v6  }
0x7a: {  	[tilespmem:v10+s15+$0x0] =	vst.idx.add.f32.msk vm15, v6  }
0x7b: {  	s26 =	sadd.s32 $0x20, s26;
	[tilespmem:v63+s15+$0x0] =	vst.idx.add.f32.msk vm15, v6  }
0x7c: {  	[hbm4b:s7+s13] =	stream.strided.scatter [tilespmem:s15], [sflag:$0x5], $0x1000, s14, s13, $0x38;
	[tilespmem:$0xE880] =	vst v63  }
0x7d: {  	_ =	swait.ge [sflag:s21], $0x6400  }
0x7e: {  	[sflag:s21] =	ssyncset.done $0x0  }
0x7f: {  	[sflag:s21] =	ssyncadd.s32 $0xFFFF9C00  }
0x80: {  	_ =	swait.ge [sflag:s22], $0x1000  }
0x81: {  	[sflag:s22] =	ssyncset.done $0x0  }
0x82: {  	[sflag:s22] =	ssyncadd.s32 $0xFFFFF000  }
0x83: {  	_ =	swait.ge [sflag:s23], $0x1000  }
0x84: {  	[sflag:s23] =	ssyncset.done $0x0  }
0x85: {  	s26 =	simm.s32 $0x0;
	[sflag:s23] =	ssyncadd.s32 $0xFFFFF000  }
0x86: {  	[tilespmem:s26], [sflag:$0x1] =	stream.strided.gather [hbm4b:s8+s13], $0x6400, s14, s13, $0x38;
	[tilespmem:$0xE880] =	vst v63  }
0x87: {  	s28 =	simm.s32 $0x6500  }
0x88: {  	[tilespmem:s15], [sflag:$0x3] =	stream.strided.gather [hbm4b:s9+s13], $0x1000, s14, s13, $0x38;
	[tilespmem:$0xE880] =	vst v63  }
.LBB2_6:
0x89: {  	v11 =	vmov s28;
	_ =	sdelay $0x1  }
0x8a: {  	s29 =	sshll.u32 s26, $0x5  }
0x8b: {  	v10 =	vld [tilespmem:s29+$0xC780]  }
0x8c: {  	s1 =	simm.s32 $0x0;
	v9 =	vld [tilespmem:s29+$0xC790]  }
0x8d: {  	v13 =	vld.idx.msk [tilespmem:v11+s1+$0xFFFFFF00 ss:$0x1], $0xffff  }
0x8e: {  	v14 =	vld.idx.msk [tilespmem:v11+s1+$0xFFFFFF10 ss:$0x1], $0xffff  }
0x8f: {  	v15 =	vld.idx.msk [tilespmem:v11+s1+$0xFFFFFF80 ss:$0x1], $0xffff  }
0x90: {  	v16 =	vld.idx.msk [tilespmem:v11+s1+$0xFFFFFF90 ss:$0x1], $0xffff  }
0x91: {  	v18 =	vimm.s32 $0xFFFFFFFF;
	v17 =	vld.idx.msk [tilespmem:v11+s1+$0x80 ss:$0x1], $0xffff  }
0x92: {  	vm0 =	veq.s32 v18, v10;
	vm2 =	veq.s32 v18, v9;
	v18 =	vld.idx.msk [tilespmem:v11+s1+$0x10 ss:$0x1], $0xffff;
	_ =	sdelay $0x1  }
0x93: {  	v12 =	vimm.s32 $0x0;
	v19 =	vld.idx.msk [tilespmem:v11+s1+$0x0 ss:$0x1], $0xffff;
	vm3 =	veq.s32 v13, v10  }
0x94: {  	vm5 =	veq.s32 v14, v9;
	vm1 =	veq.s32 v13, v3;
	vm6 =	veq.s32 v14, v3;
	v20 =	vld.idx.msk [tilespmem:v13+s20+$0x0], $0xffff  }
0x95: {  	vm7 =	veq.s32 v15, v10;
	vm8 =	veq.s32 v16, v9;
	vm9 =	veq.s32 v17, v3;
	v13 =	vld.idx.msk [tilespmem:v14+s20+$0x0], $0xffff  }
0x96: {  	vm1 =	vmand vm0, vm1;
	vm0 =	veq.s32 v15, v3;
	vm10 =	veq.s32 v18, v9;
	v14 =	vld.idx.msk [tilespmem:v11+s1+$0x90 ss:$0x1], $0xffff  }
0x97: {  	vm4 =	vmand vm3, vm0;
	vm3 =	veq.s32 v16, v3;
	vm0 =	veq.s32 v17, v10  }
0x98: {  	vm5 =	vmand vm5, vm3;
	v21 =	vld.idx.msk [tilespmem:v15+s20+$0x0], $0xffff;
	vm3 =	vmand vm2, vm6;
	vm2 =	veq.s32 v19, v3  }
0x99: {  	vm6 =	veq.s32 v19, v10;
	v22 =	vld.idx.msk [tilespmem:v16+s20+$0x0], $0xffff;
	vm2 =	vmand vm7, vm2;
	vm7 =	veq.s32 v18, v3  }
0x9a: {  	vm6 =	vmand vm6, vm9;
	vm7 =	vmand vm8, vm7;
	v15 =	vadd.s32 v12, v20  }
0x9b: {  	v16 =	vld.idx.msk [tilespmem:v19+s20+$0x0], $0xffff;
	vm6 =	vmor vm6, vm2;
	v13 =	vadd.s32 v12, v13;
	vm2 =	vgt.s32 v15, $0x0  }
0x9c: {  	v18 =	vld.idx.msk [tilespmem:v18+s20+$0x0], $0xffff;
	vm9 =	veq.s32 v14, v3;
	vm8 =	vgt.s32 v13, $0x0;
	v19 =	vnsel vm2, $0x0, v15  }
0x9d: {  	v13 =	vnsel vm8, $0x0, v13;
	v15 =	vld.idx.msk [tilespmem:v17+s20+$0x0], $0xffff;
	vm2 =	vmand vm10, vm9;
	v19 =	vadd.s32 v19, v21  }
0x9e: {  	s31 =	simm.s32 $0x200;
	v20 =	vadd.s32 v13, v22;
	v17 =	vld.idx.msk [tilespmem:v14+s20+$0x0], $0xffff;
	vm7 =	vmor vm2, vm7;
	vm2 =	veq.s32 v14, v9  }
0x9f: {  	s30 =	sor.u32 $0x10, s29;
	s1 =	simm.s32 $0x1000;
	v14 =	vld.idx.msk [tilespmem:v11+s31+$0xFFFFFF00 ss:$0x1], $0xffff;
	v13 =	vimm.s32 $0x0;
	vm8 =	vgt.s32 v19, $0x0;
	vm9 =	vgt.s32 v20, $0x0  }
.LBB2_7:
0xa0: {  	p0 =	sne.s32 s1, $0x18800;
	v21 =	vld.idx.msk [tilespmem:v11+s31+$0xFFFFFF10 ss:$0x1], $0xffff;
	v19 =	vnsel vm8, $0x0, v19;
	v20 =	vnsel vm9, $0x0, v20;
	vm4 =	vmor vm6, vm4  }
0xa1: {  	vm5 =	vmor vm7, vm5;
	v16 =	vadd.s32 v19, v16;
	v18 =	vadd.s32 v20, v18  }
0xa2: {  	vm1 =	vmor vm4, vm1;
	v19 =	vld.idx.msk [tilespmem:v11+s31+$0xFFFFFF80 ss:$0x1], $0xffff;
	vm6 =	vgt.s32 v16, $0x0;
	vm7 =	vgt.s32 v18, $0x0  }
0xa3: {  	vm3 =	vmor vm5, vm3;
	v20 =	vld.idx.msk [tilespmem:v11+s31+$0xFFFFFF90 ss:$0x1], $0xffff;
	v16 =	vnsel vm6, $0x0, v16;
	v18 =	vnsel vm7, $0x0, v18  }
0xa4: {  	v12 =	vsel vm1, $0x1, v12;
	v22 =	vld.idx.msk [tilespmem:v11+s31+$0x80 ss:$0x1], $0xffff;
	v15 =	vadd.s32 v16, v15;
	v16 =	vadd.s32 v18, v17  }
0xa5: {  	vm4 =	veq.s32 v14, v10;
	v17 =	vld.idx.msk [tilespmem:v11+s31+$0x0 ss:$0x1], $0xffff;
	vm1 =	vgt.s32 v15, $0x0;
	vm5 =	vgt.s32 v16, $0x0  }
0xa6: {  	vm6 =	veq.s32 v21, v9;
	v18 =	vld.idx.msk [tilespmem:v11+s31+$0x10 ss:$0x1], $0xffff;
	v15 =	vnsel vm1, $0x0, v15;
	v23 =	vnsel vm5, $0x0, v16  }
0xa7: {  	v13 =	vsel vm3, $0x1, v13;
	vm7 =	veq.s32 v21, v3;
	vm1 =	veq.s32 v14, v3;
	v24 =	vld.idx.msk [tilespmem:v14+s20+$0x0], $0xffff  }
0xa8: {  	vm1 =	vmand vm0, vm1;
	vm0 =	veq.s32 v19, v3;
	vm8 =	veq.s32 v19, v10;
	v14 =	vld.idx.msk [tilespmem:v21+s20+$0x0], $0xffff  }
0xa9: {  	vm4 =	vmand vm4, vm0;
	vm3 =	veq.s32 v20, v3;
	vm9 =	veq.s32 v20, v9;
	v21 =	vld.idx.msk [tilespmem:v11+s31+$0x90 ss:$0x1], $0xffff  }
0xaa: {  	vm0 =	veq.s32 v22, v10;
	vm5 =	vmand vm6, vm3;
	vm6 =	veq.s32 v22, v3;
	v19 =	vld.idx.msk [tilespmem:v19+s20+$0x0], $0xffff  }
0xab: {  	vm3 =	vmand vm2, vm7;
	vm2 =	veq.s32 v17, v3;
	vm7 =	veq.s32 v17, v10;
	v20 =	vld.idx.msk [tilespmem:v20+s20+$0x0], $0xffff  }
0xac: {  	vm2 =	vmand vm8, vm2;
	vm8 =	veq.s32 v18, v3;
	vm10 =	veq.s32 v18, v9  }
0xad: {  	vm6 =	vmand vm7, vm6;
	vm8 =	vmand vm9, vm8;
	v16 =	vld.idx.msk [tilespmem:v17+s20+$0x0], $0xffff  }
.Ltmp2:
0xae: {  	v15 =	vadd.s32 v15, v24;
	vm6 =	vmor vm6, vm2;
	v14 =	vadd.s32 v23, v14;
	v18 =	vld.idx.msk [tilespmem:v18+s20+$0x0], $0xffff;
	(pc) =	sbr.rel @p0 .LBB2_7-.Ltmp2, $4  }
0xaf: {  	vm2 =	vgt.s32 v15, $0x0;
	vm7 =	vgt.s32 v14, $0x0;
	vm9 =	veq.s32 v21, v3  }
0xb0: {  	v17 =	vnsel vm2, $0x0, v15;
	v14 =	vnsel vm7, $0x0, v14;
	vm2 =	vmand vm10, vm9;
	v15 =	vld.idx.msk [tilespmem:v22+s20+$0x0], $0xffff  }
0xb1: {  	s31 =	sshra.s32 s1, $0x2;
	v19 =	vadd.s32 v17, v19;
	v20 =	vadd.s32 v14, v20;
	vm7 =	vmor vm2, vm8;
	v17 =	vld.idx.msk [tilespmem:v21+s20+$0x0], $0xffff  }
0xb2: {  	s1 =	sadd.s32 $0x800, s1;
	vm2 =	veq.s32 v21, v9;
	vm8 =	vgt.s32 v19, $0x0;
	vm9 =	vgt.s32 v20, $0x0;
	v14 =	vld.idx.msk [tilespmem:v11+s31+$0xFFFFFF00 ss:$0x1], $0xffff  }
0xb3: {  	_ =	sdelay $0x3  }
0xb4: {  	v21 =	vld.idx.msk [tilespmem:v11+s31+$0xFFFFFF10 ss:$0x1], $0xffff;
	v19 =	vnsel vm8, $0x0, v19;
	v20 =	vnsel vm9, $0x0, v20  }
0xb5: {  	vm4 =	vmor vm6, vm4;
	vm5 =	vmor vm7, vm5;
	v32 =	vld.idx.msk [tilespmem:v11+s31+$0xFFFFFF80 ss:$0x1], $0xffff;
	v43 =	vadd.s32 $0xFFFFFFF1, v10  }
0xb6: {  	v33 =	vld.idx.msk [tilespmem:v11+s31+$0xFFFFFF90 ss:$0x1], $0xffff;
	v46 =	vand.u32 $0xFFFFFFFE, v10;
	v53 =	vor.u32 s29, v5;
	v54 =	vadd.s32 $0xFFFFFFF1, v9  }
0xb7: {  	v35 =	vld.idx.msk [tilespmem:v11+s31+$0x0 ss:$0x1], $0xffff;
	v55 =	vor.u32 s29, v7;
	v58 =	vand.u32 $0xFFFFFFFE, v9;
	v16 =	vadd.s32 v19, v16  }
0xb8: {  	v40 =	vld [tilespmem:s29+$0xC680];
	v18 =	vadd.s32 v20, v18;
	vm1 =	vmor vm4, vm1;
	vm3 =	vmor vm5, vm3  }
0xb9: {  	v41 =	vld [tilespmem:s29+$0xC700];
	vm15 =	vgt.s32 v16, $0x0;
	vm9 =	vgt.s32 v18, $0x0;
	v12 =	vsel vm1, $0x1, v12  }
0xba: {  	v50 =	vld [tilespmem:s30+$0xC680];
	v13 =	vsel vm3, $0x1, v13;
	v16 =	vnsel vm15, $0x0, v16;
	v18 =	vnsel vm9, $0x0, v18  }
0xbb: {  	v52 =	vld [tilespmem:s30+$0xC700];
	v15 =	vadd.s32 v16, v15;
	v34 =	vadd.s32 v18, v17;
	vm10 =	veq.s32 v14, v10  }
0xbc: {  	vm14 =	veq.s32 v14, v3;
	vm12 =	vgt.s32 v15, $0x0;
	vm13 =	vgt.s32 v34, $0x0  }
0xbd: {  	vm6 =	veq.s32 v21, v9;
	vm15 =	veq.s32 v21, v3;
	vm0 =	vmand vm0, vm14  }
0xbe: {  	v22 =	vld.idx.msk [tilespmem:v11+s31+$0x80 ss:$0x1], $0xffff;
	vm11 =	veq.s32 v32, v3;
	vm8 =	veq.s32 v33, v9;
	vm14 =	veq.s32 v35, v3  }
0xbf: {  	v36 =	vld.idx.msk [tilespmem:v11+s31+$0x10 ss:$0x1], $0xffff;
	v42 =	vand.u32 $0xFFFFFFFE, v40;
	v44 =	vand.u32 $0xFFFFFFFE, v41;
	v56 =	vand.u32 $0xFFFFFFFE, v50  }
0xc0: {  	v11 =	vld.idx.msk [tilespmem:v11+s31+$0x90 ss:$0x1], $0xffff;
	v57 =	vand.u32 $0xFFFFFFFE, v52;
	v15 =	vnsel vm12, $0x0, v15;
	v16 =	vnsel vm13, $0x0, v34  }
0xc1: {  	v23 =	vld.idx.msk [tilespmem:v14+s20+$0x0], $0xffff;
	vm12 =	veq.s32 v32, v10;
	vm3 =	vmand vm10, vm11;
	vm13 =	veq.s32 v33, v3  }
0xc2: {  	vm1 =	vmand vm2, vm15;
	vm15 =	veq.s32 v35, v10;
	vm11 =	veq.s32 v42, $0xA  }
0xc3: {  	vm4 =	vmand vm6, vm13;
	vm6 =	veq.s32 v22, v3;
	vm2 =	vmand vm12, vm14;
	v37 =	vld.idx.msk [tilespmem:v21+s20+$0x0], $0xffff  }
0xc4: {  	vm12 =	veq.s32 v36, v3;
	vm13 =	veq.s32 v36, v9;
	v45 =	vsel vm11, $0x1, v1;
	v19 =	vld.idx.msk [tilespmem:v32+s20+$0x0], $0xffff  }
0xc5: {  	vm7 =	vmand vm8, vm12;
	vm5 =	vmand vm15, vm6;
	vm12 =	veq.s32 v11, v3  }
0xc6: {  	v15 =	vadd.s32 v15, v23;
	vm2 =	vmor vm5, vm2;
	vm5 =	vmand vm13, vm12  }
0xc7: {  	v20 =	vld.idx.msk [tilespmem:v33+s20+$0x0], $0xffff;
	vm12 =	veq.s32 v44, $0xA;
	vm14 =	vgt.s32 v15, $0x0;
	vm5 =	vmor vm5, vm7  }
0xc8: {  	v17 =	vld.idx.msk [tilespmem:v35+s20+$0x0], $0xffff;
	vm2 =	vmor vm2, vm3;
	v47 =	vsel vm12, $0x1, v1;
	v15 =	vnsel vm14, $0x0, v15  }
0xc9: {  	vm0 =	vmor vm2, vm0;
	v14 =	vadd.s32 v16, v37;
	v15 =	vadd.s32 v15, v19  }
0xca: {  	v12 =	vsel vm0, $0x1, v12;
	vm15 =	vgt.s32 v14, $0x0;
	vm13 =	vgt.s32 v15, $0x0  }
0xcb: {  	v38 =	vld.idx.msk [tilespmem:v36+s20+$0x0], $0xffff;
	vm2 =	vne.s32 v12, $0x0;
	v14 =	vnsel vm15, $0x0, v14;
	v15 =	vnsel vm13, $0x0, v15  }
0xcc: {  	v39 =	vld.idx.msk [tilespmem:v22+s20+$0x0], $0xffff;
	vm15 =	vmor vm5, vm4;
	vm13 =	veq.s32 v46, $0xA;
	v14 =	vadd.s32 v14, v20  }
0xcd: {  	v15 =	vadd.s32 v15, v17;
	vm10 =	vmor vm15, vm1;
	v12 =	vsel vm13, $0x1, v1  }
0xce: {  	vm15 =	veq.s32 v10, $0x1;
	vm13 =	vlt.u32 v54, $0xA;
	vm14 =	vgt.s32 v14, $0x0  }
0xcf: {  	vm8 =	vgt.s32 v15, $0x0;
	v12 =	vadd.s32 v12, v45;
	v14 =	vnsel vm14, $0x0, v14  }
0xd0: {  	v11 =	vld.idx.msk [tilespmem:v11+s20+$0x0], $0xffff;
	v15 =	vnsel vm8, $0x0, v15;
	vm14 =	veq.s32 v10, $0x2;
	vm8 =	veq.s32 v10, $0x0  }
0xd1: {  	v12 =	vadd.s32 v47, v12;
	v14 =	vadd.s32 v14, v38;
	v15 =	vadd.s32 v15, v39  }
0xd2: {  	v48 =	vsel vm14, $0x3, v4;
	vm14 =	veq.s32 v56, $0xA;
	vm9 =	vgt.s32 v14, $0x0  }
0xd3: {  	vm1 =	vgt.s32 v15, $0x0;
	v49 =	vsel vm15, $0x2, v48;
	v59 =	vsel vm14, $0x1, v1  }
0xd4: {  	vm15 =	veq.s32 v57, $0xA;
	v14 =	vnsel vm9, $0x0, v14;
	v51 =	vsel vm8, $0x4, v49  }
0xd5: {  	vm9 =	vlt.u32 v43, $0xA;
	v11 =	vadd.s32 v14, v11;
	vm11 =	vge.u32 v12, v51  }
0xd6: {  	vm3 =	vmand vm9, vm2;
	vm9 =	veq.s32 v58, $0xA;
	vm0 =	vgt.s32 v11, $0x0  }
0xd7: {  	v11 =	vsel vm10, $0x1, v13;
	vm10 =	vlt.s32 v10, $0x3;
	v10 =	vshll.u32 v10, $0x7  }
0xd8: {  	v13 =	vsel vm15, $0x1, v1;
	v14 =	vsel vm9, $0x1, v1;
	vm2 =	vmand vm10, vm11  }
0xd9: {  	v10 =	vadd.s32 s29, v10;
	vm12 =	vne.s32 v11, $0x0;
	v11 =	vor.u32 s29, v8  }
0xda: {  	vm10 =	veq.s32 v9, $0x2;
	v14 =	vadd.s32 v14, v59;
	vm11 =	veq.s32 v9, $0x1  }
0xdb: {  	v10 =	vadd.s32 v2, v10;
	vm4 =	vmand vm13, vm12;
	v60 =	vsel vm10, $0x3, v4  }
0xdc: {  	v13 =	vadd.s32 v13, v14;
	vm12 =	veq.s32 v9, $0x0;
	v61 =	vsel vm11, $0x2, v60  }
0xdd: {  	vm13 =	vlt.s32 v9, $0x3;
	v9 =	vshll.u32 v9, $0x7;
	v14 =	vsel vm12, $0x4, v61  }
0xde: {  	v62 =	vor.u32 s30, v5;
	v9 =	vadd.s32 s30, v9;
	vm14 =	vge.u32 v13, v14  }
0xdf: {  	[tilespmem:v53+s19+$0x0] =	vst.idx.add.f32.msk vm1, v6;
	v9 =	vadd.s32 v2, v9;
	vm15 =	vmand vm13, vm14  }
0xe0: {  	s26 =	sadd.s32 $0x1, s26;
	[tilespmem:v10+s19+$0x0] =	vst.idx.add.f32.msk vm3, v6;
	v10 =	vor.u32 s30, v7  }
0xe1: {  	v63 =	vor.u32 s30, v8;
	p0 =	sne.s32 s26, $0x4;
	[tilespmem:v55+s19+$0x0] =	vst.idx.add.f32.msk vm2, v6  }
.Ltmp3:
0xe2: {  	[tilespmem:v11+s19+$0x0] =	vst.idx.add.f32.msk vm2, v6;
	(pc) =	sbr.rel @p0 .LBB2_6-.Ltmp3, $4  }
0xe3: {  	[tilespmem:v62+s19+$0x0] =	vst.idx.add.f32.msk vm0, v6  }
0xe4: {  	[tilespmem:v9+s19+$0x0] =	vst.idx.add.f32.msk vm4, v6  }
0xe5: {  	[tilespmem:v10+s19+$0x0] =	vst.idx.add.f32.msk vm15, v6  }
0xe6: {  	s28 =	sadd.s32 $0x20, s28;
	[tilespmem:v63+s19+$0x0] =	vst.idx.add.f32.msk vm15, v6  }
0xe7: {  	[hbm4b:s10+s13] =	stream.strided.scatter [tilespmem:s19], [sflag:$0x6], $0x1000, s14, s13, $0x38;
	[tilespmem:$0xE880] =	vst v63  }
0xe8: {  	_ =	swait.ge [sflag:s16], $0x6400  }
0xe9: {  	[sflag:s16] =	ssyncset.done $0x0  }
0xea: {  	[sflag:s16] =	ssyncadd.s32 $0xFFFF9C00  }
0xeb: {  	_ =	swait.ge [sflag:s17], $0x1000  }
0xec: {  	[sflag:s17] =	ssyncset.done $0x0  }
0xed: {  	[sflag:s17] =	ssyncadd.s32 $0xFFFFF000  }
0xee: {  	_ =	swait.ge [sflag:s24], $0x1000  }
0xef: {  	[sflag:s24] =	ssyncset.done $0x0  }
0xf0: {  	s26 =	simm.s32 $0x0;
	s28 =	simm.s32 $0x100;
	[sflag:s24] =	ssyncadd.s32 $0xFFFFF000  }
.LBB2_10:
0xf1: {  	v11 =	vmov s28;
	_ =	sdelay $0x1  }
0xf2: {  	s29 =	sshll.u32 s26, $0x5  }
0xf3: {  	v10 =	vld [tilespmem:s29+$0x6380]  }
0xf4: {  	s1 =	simm.s32 $0x0;
	v9 =	vld [tilespmem:s29+$0x6390]  }
0xf5: {  	v13 =	vld.idx.msk [tilespmem:v11+s1+$0xFFFFFF00 ss:$0x1], $0xffff  }
0xf6: {  	v14 =	vld.idx.msk [tilespmem:v11+s1+$0xFFFFFF10 ss:$0x1], $0xffff  }
0xf7: {  	v15 =	vld.idx.msk [tilespmem:v11+s1+$0xFFFFFF80 ss:$0x1], $0xffff  }
0xf8: {  	v16 =	vld.idx.msk [tilespmem:v11+s1+$0xFFFFFF90 ss:$0x1], $0xffff  }
0xf9: {  	v18 =	vimm.s32 $0xFFFFFFFF;
	v17 =	vld.idx.msk [tilespmem:v11+s1+$0x80 ss:$0x1], $0xffff  }
0xfa: {  	vm0 =	veq.s32 v18, v10;
	vm2 =	veq.s32 v18, v9;
	v18 =	vld.idx.msk [tilespmem:v11+s1+$0x10 ss:$0x1], $0xffff;
	_ =	sdelay $0x1  }
0xfb: {  	v12 =	vimm.s32 $0x0;
	v19 =	vld.idx.msk [tilespmem:v11+s1+$0x0 ss:$0x1], $0xffff;
	vm3 =	veq.s32 v13, v10  }
0xfc: {  	vm5 =	veq.s32 v14, v9;
	vm1 =	veq.s32 v13, v3;
	vm6 =	veq.s32 v14, v3;
	v20 =	vld.idx.msk [tilespmem:v13+s20+$0x0], $0xffff  }
0xfd: {  	vm7 =	veq.s32 v15, v10;
	vm8 =	veq.s32 v16, v9;
	vm9 =	veq.s32 v17, v3;
	v13 =	vld.idx.msk [tilespmem:v14+s20+$0x0], $0xffff  }
0xfe: {  	vm1 =	vmand vm0, vm1;
	vm0 =	veq.s32 v15, v3;
	vm10 =	veq.s32 v18, v9;
	v14 =	vld.idx.msk [tilespmem:v11+s1+$0x90 ss:$0x1], $0xffff  }
0xff: {  	vm4 =	vmand vm3, vm0;
	vm3 =	veq.s32 v16, v3;
	vm0 =	veq.s32 v17, v10  }
0x100: {  	vm5 =	vmand vm5, vm3;
	v21 =	vld.idx.msk [tilespmem:v15+s20+$0x0], $0xffff;
	vm3 =	vmand vm2, vm6;
	vm2 =	veq.s32 v19, v3  }
0x101: {  	vm6 =	veq.s32 v19, v10;
	v22 =	vld.idx.msk [tilespmem:v16+s20+$0x0], $0xffff;
	vm2 =	vmand vm7, vm2;
	vm7 =	veq.s32 v18, v3  }
0x102: {  	vm6 =	vmand vm6, vm9;
	vm7 =	vmand vm8, vm7;
	v15 =	vadd.s32 v12, v20  }
0x103: {  	v16 =	vld.idx.msk [tilespmem:v19+s20+$0x0], $0xffff;
	vm6 =	vmor vm6, vm2;
	v13 =	vadd.s32 v12, v13;
	vm2 =	vgt.s32 v15, $0x0  }
0x104: {  	v18 =	vld.idx.msk [tilespmem:v18+s20+$0x0], $0xffff;
	vm9 =	veq.s32 v14, v3;
	vm8 =	vgt.s32 v13, $0x0;
	v19 =	vnsel vm2, $0x0, v15  }
0x105: {  	v13 =	vnsel vm8, $0x0, v13;
	v15 =	vld.idx.msk [tilespmem:v17+s20+$0x0], $0xffff;
	vm2 =	vmand vm10, vm9;
	v19 =	vadd.s32 v19, v21  }
0x106: {  	s31 =	simm.s32 $0x200;
	v20 =	vadd.s32 v13, v22;
	v17 =	vld.idx.msk [tilespmem:v14+s20+$0x0], $0xffff;
	vm7 =	vmor vm2, vm7;
	vm2 =	veq.s32 v14, v9  }
0x107: {  	s30 =	sor.u32 $0x10, s29;
	s1 =	simm.s32 $0x1000;
	v14 =	vld.idx.msk [tilespmem:v11+s31+$0xFFFFFF00 ss:$0x1], $0xffff;
	v13 =	vimm.s32 $0x0;
	vm8 =	vgt.s32 v19, $0x0;
	vm9 =	vgt.s32 v20, $0x0  }
.LBB2_11:
0x108: {  	p0 =	sne.s32 s1, $0x18800;
	v21 =	vld.idx.msk [tilespmem:v11+s31+$0xFFFFFF10 ss:$0x1], $0xffff;
	v19 =	vnsel vm8, $0x0, v19;
	v20 =	vnsel vm9, $0x0, v20;
	vm4 =	vmor vm6, vm4  }
0x109: {  	vm5 =	vmor vm7, vm5;
	v16 =	vadd.s32 v19, v16;
	v18 =	vadd.s32 v20, v18  }
0x10a: {  	vm1 =	vmor vm4, vm1;
	v19 =	vld.idx.msk [tilespmem:v11+s31+$0xFFFFFF80 ss:$0x1], $0xffff;
	vm6 =	vgt.s32 v16, $0x0;
	vm7 =	vgt.s32 v18, $0x0  }
0x10b: {  	vm3 =	vmor vm5, vm3;
	v20 =	vld.idx.msk [tilespmem:v11+s31+$0xFFFFFF90 ss:$0x1], $0xffff;
	v16 =	vnsel vm6, $0x0, v16;
	v18 =	vnsel vm7, $0x0, v18  }
0x10c: {  	v12 =	vsel vm1, $0x1, v12;
	v22 =	vld.idx.msk [tilespmem:v11+s31+$0x80 ss:$0x1], $0xffff;
	v15 =	vadd.s32 v16, v15;
	v16 =	vadd.s32 v18, v17  }
0x10d: {  	vm4 =	veq.s32 v14, v10;
	v17 =	vld.idx.msk [tilespmem:v11+s31+$0x0 ss:$0x1], $0xffff;
	vm1 =	vgt.s32 v15, $0x0;
	vm5 =	vgt.s32 v16, $0x0  }
0x10e: {  	vm6 =	veq.s32 v21, v9;
	v18 =	vld.idx.msk [tilespmem:v11+s31+$0x10 ss:$0x1], $0xffff;
	v15 =	vnsel vm1, $0x0, v15;
	v23 =	vnsel vm5, $0x0, v16  }
0x10f: {  	v13 =	vsel vm3, $0x1, v13;
	vm7 =	veq.s32 v21, v3;
	vm1 =	veq.s32 v14, v3;
	v24 =	vld.idx.msk [tilespmem:v14+s20+$0x0], $0xffff  }
0x110: {  	vm1 =	vmand vm0, vm1;
	vm0 =	veq.s32 v19, v3;
	vm8 =	veq.s32 v19, v10;
	v14 =	vld.idx.msk [tilespmem:v21+s20+$0x0], $0xffff  }
0x111: {  	vm4 =	vmand vm4, vm0;
	vm3 =	veq.s32 v20, v3;
	vm9 =	veq.s32 v20, v9;
	v21 =	vld.idx.msk [tilespmem:v11+s31+$0x90 ss:$0x1], $0xffff  }
0x112: {  	vm0 =	veq.s32 v22, v10;
	vm5 =	vmand vm6, vm3;
	vm6 =	veq.s32 v22, v3;
	v19 =	vld.idx.msk [tilespmem:v19+s20+$0x0], $0xffff  }
0x113: {  	vm3 =	vmand vm2, vm7;
	vm2 =	veq.s32 v17, v3;
	vm7 =	veq.s32 v17, v10;
	v20 =	vld.idx.msk [tilespmem:v20+s20+$0x0], $0xffff  }
0x114: {  	vm2 =	vmand vm8, vm2;
	vm8 =	veq.s32 v18, v3;
	vm10 =	veq.s32 v18, v9  }
0x115: {  	vm6 =	vmand vm7, vm6;
	vm8 =	vmand vm9, vm8;
	v16 =	vld.idx.msk [tilespmem:v17+s20+$0x0], $0xffff  }
.Ltmp4:
0x116: {  	v15 =	vadd.s32 v15, v24;
	vm6 =	vmor vm6, vm2;
	v14 =	vadd.s32 v23, v14;
	v18 =	vld.idx.msk [tilespmem:v18+s20+$0x0], $0xffff;
	(pc) =	sbr.rel @p0 .LBB2_11-.Ltmp4, $4  }
0x117: {  	vm2 =	vgt.s32 v15, $0x0;
	vm7 =	vgt.s32 v14, $0x0;
	vm9 =	veq.s32 v21, v3  }
0x118: {  	v17 =	vnsel vm2, $0x0, v15;
	v14 =	vnsel vm7, $0x0, v14;
	vm2 =	vmand vm10, vm9;
	v15 =	vld.idx.msk [tilespmem:v22+s20+$0x0], $0xffff  }
0x119: {  	s31 =	sshra.s32 s1, $0x2;
	v19 =	vadd.s32 v17, v19;
	v20 =	vadd.s32 v14, v20;
	vm7 =	vmor vm2, vm8;
	v17 =	vld.idx.msk [tilespmem:v21+s20+$0x0], $0xffff  }
0x11a: {  	s1 =	sadd.s32 $0x800, s1;
	vm2 =	veq.s32 v21, v9;
	vm8 =	vgt.s32 v19, $0x0;
	vm9 =	vgt.s32 v20, $0x0;
	v14 =	vld.idx.msk [tilespmem:v11+s31+$0xFFFFFF00 ss:$0x1], $0xffff  }
0x11b: {  	_ =	sdelay $0x3  }
0x11c: {  	v21 =	vld.idx.msk [tilespmem:v11+s31+$0xFFFFFF10 ss:$0x1], $0xffff;
	v19 =	vnsel vm8, $0x0, v19;
	v20 =	vnsel vm9, $0x0, v20  }
0x11d: {  	vm4 =	vmor vm6, vm4;
	vm5 =	vmor vm7, vm5;
	v32 =	vld.idx.msk [tilespmem:v11+s31+$0xFFFFFF80 ss:$0x1], $0xffff;
	v43 =	vadd.s32 $0xFFFFFFF1, v10  }
0x11e: {  	v33 =	vld.idx.msk [tilespmem:v11+s31+$0xFFFFFF90 ss:$0x1], $0xffff;
	v46 =	vand.u32 $0xFFFFFFFE, v10;
	v53 =	vor.u32 s29, v5;
	v54 =	vadd.s32 $0xFFFFFFF1, v9  }
0x11f: {  	v35 =	vld.idx.msk [tilespmem:v11+s31+$0x0 ss:$0x1], $0xffff;
	v55 =	vor.u32 s29, v7;
	v58 =	vand.u32 $0xFFFFFFFE, v9;
	v16 =	vadd.s32 v19, v16  }
0x120: {  	v40 =	vld [tilespmem:s29+$0x6280];
	v18 =	vadd.s32 v20, v18;
	vm1 =	vmor vm4, vm1;
	vm3 =	vmor vm5, vm3  }
0x121: {  	v41 =	vld [tilespmem:s29+$0x6300];
	vm15 =	vgt.s32 v16, $0x0;
	vm9 =	vgt.s32 v18, $0x0;
	v12 =	vsel vm1, $0x1, v12  }
0x122: {  	v50 =	vld [tilespmem:s30+$0x6280];
	v13 =	vsel vm3, $0x1, v13;
	v16 =	vnsel vm15, $0x0, v16;
	v18 =	vnsel vm9, $0x0, v18  }
0x123: {  	v52 =	vld [tilespmem:s30+$0x6300];
	v15 =	vadd.s32 v16, v15;
	v34 =	vadd.s32 v18, v17;
	vm10 =	veq.s32 v14, v10  }
0x124: {  	vm14 =	veq.s32 v14, v3;
	vm12 =	vgt.s32 v15, $0x0;
	vm13 =	vgt.s32 v34, $0x0  }
0x125: {  	vm6 =	veq.s32 v21, v9;
	vm15 =	veq.s32 v21, v3;
	vm0 =	vmand vm0, vm14  }
0x126: {  	v22 =	vld.idx.msk [tilespmem:v11+s31+$0x80 ss:$0x1], $0xffff;
	vm11 =	veq.s32 v32, v3;
	vm8 =	veq.s32 v33, v9;
	vm14 =	veq.s32 v35, v3  }
0x127: {  	v36 =	vld.idx.msk [tilespmem:v11+s31+$0x10 ss:$0x1], $0xffff;
	v42 =	vand.u32 $0xFFFFFFFE, v40;
	v44 =	vand.u32 $0xFFFFFFFE, v41;
	v56 =	vand.u32 $0xFFFFFFFE, v50  }
0x128: {  	v11 =	vld.idx.msk [tilespmem:v11+s31+$0x90 ss:$0x1], $0xffff;
	v57 =	vand.u32 $0xFFFFFFFE, v52;
	v15 =	vnsel vm12, $0x0, v15;
	v16 =	vnsel vm13, $0x0, v34  }
0x129: {  	v23 =	vld.idx.msk [tilespmem:v14+s20+$0x0], $0xffff;
	vm12 =	veq.s32 v32, v10;
	vm3 =	vmand vm10, vm11;
	vm13 =	veq.s32 v33, v3  }
0x12a: {  	vm1 =	vmand vm2, vm15;
	vm15 =	veq.s32 v35, v10;
	vm11 =	veq.s32 v42, $0xA  }
0x12b: {  	vm4 =	vmand vm6, vm13;
	vm6 =	veq.s32 v22, v3;
	vm2 =	vmand vm12, vm14;
	v37 =	vld.idx.msk [tilespmem:v21+s20+$0x0], $0xffff  }
0x12c: {  	vm12 =	veq.s32 v36, v3;
	vm13 =	veq.s32 v36, v9;
	v45 =	vsel vm11, $0x1, v1;
	v19 =	vld.idx.msk [tilespmem:v32+s20+$0x0], $0xffff  }
0x12d: {  	vm7 =	vmand vm8, vm12;
	vm5 =	vmand vm15, vm6;
	vm12 =	veq.s32 v11, v3  }
0x12e: {  	v15 =	vadd.s32 v15, v23;
	vm2 =	vmor vm5, vm2;
	vm5 =	vmand vm13, vm12  }
0x12f: {  	v20 =	vld.idx.msk [tilespmem:v33+s20+$0x0], $0xffff;
	vm12 =	veq.s32 v44, $0xA;
	vm14 =	vgt.s32 v15, $0x0;
	vm5 =	vmor vm5, vm7  }
0x130: {  	v17 =	vld.idx.msk [tilespmem:v35+s20+$0x0], $0xffff;
	vm2 =	vmor vm2, vm3;
	v47 =	vsel vm12, $0x1, v1;
	v15 =	vnsel vm14, $0x0, v15  }
0x131: {  	vm0 =	vmor vm2, vm0;
	v14 =	vadd.s32 v16, v37;
	v15 =	vadd.s32 v15, v19  }
0x132: {  	v12 =	vsel vm0, $0x1, v12;
	vm15 =	vgt.s32 v14, $0x0;
	vm13 =	vgt.s32 v15, $0x0  }
0x133: {  	v38 =	vld.idx.msk [tilespmem:v36+s20+$0x0], $0xffff;
	vm2 =	vne.s32 v12, $0x0;
	v14 =	vnsel vm15, $0x0, v14;
	v15 =	vnsel vm13, $0x0, v15  }
0x134: {  	v39 =	vld.idx.msk [tilespmem:v22+s20+$0x0], $0xffff;
	vm15 =	vmor vm5, vm4;
	vm13 =	veq.s32 v46, $0xA;
	v14 =	vadd.s32 v14, v20  }
0x135: {  	v15 =	vadd.s32 v15, v17;
	vm10 =	vmor vm15, vm1;
	v12 =	vsel vm13, $0x1, v1  }
0x136: {  	vm15 =	veq.s32 v10, $0x1;
	vm13 =	vlt.u32 v54, $0xA;
	vm14 =	vgt.s32 v14, $0x0  }
0x137: {  	vm8 =	vgt.s32 v15, $0x0;
	v12 =	vadd.s32 v12, v45;
	v14 =	vnsel vm14, $0x0, v14  }
0x138: {  	v11 =	vld.idx.msk [tilespmem:v11+s20+$0x0], $0xffff;
	v15 =	vnsel vm8, $0x0, v15;
	vm14 =	veq.s32 v10, $0x2;
	vm8 =	veq.s32 v10, $0x0  }
0x139: {  	v12 =	vadd.s32 v47, v12;
	v14 =	vadd.s32 v14, v38;
	v15 =	vadd.s32 v15, v39  }
0x13a: {  	v48 =	vsel vm14, $0x3, v4;
	vm14 =	veq.s32 v56, $0xA;
	vm9 =	vgt.s32 v14, $0x0  }
0x13b: {  	vm1 =	vgt.s32 v15, $0x0;
	v49 =	vsel vm15, $0x2, v48;
	v59 =	vsel vm14, $0x1, v1  }
0x13c: {  	vm15 =	veq.s32 v57, $0xA;
	v14 =	vnsel vm9, $0x0, v14;
	v51 =	vsel vm8, $0x4, v49  }
0x13d: {  	vm9 =	vlt.u32 v43, $0xA;
	v11 =	vadd.s32 v14, v11;
	vm11 =	vge.u32 v12, v51  }
0x13e: {  	vm3 =	vmand vm9, vm2;
	vm9 =	veq.s32 v58, $0xA;
	vm0 =	vgt.s32 v11, $0x0  }
0x13f: {  	v11 =	vsel vm10, $0x1, v13;
	vm10 =	vlt.s32 v10, $0x3;
	v10 =	vshll.u32 v10, $0x7  }
0x140: {  	v13 =	vsel vm15, $0x1, v1;
	v14 =	vsel vm9, $0x1, v1;
	vm2 =	vmand vm10, vm11  }
0x141: {  	v10 =	vadd.s32 s29, v10;
	vm12 =	vne.s32 v11, $0x0;
	v11 =	vor.u32 s29, v8  }
0x142: {  	vm10 =	veq.s32 v9, $0x2;
	v14 =	vadd.s32 v14, v59;
	vm11 =	veq.s32 v9, $0x1  }
0x143: {  	v10 =	vadd.s32 v2, v10;
	vm4 =	vmand vm13, vm12;
	v60 =	vsel vm10, $0x3, v4  }
0x144: {  	v13 =	vadd.s32 v13, v14;
	vm12 =	veq.s32 v9, $0x0;
	v61 =	vsel vm11, $0x2, v60  }
0x145: {  	vm13 =	vlt.s32 v9, $0x3;
	v9 =	vshll.u32 v9, $0x7;
	v14 =	vsel vm12, $0x4, v61  }
0x146: {  	v62 =	vor.u32 s30, v5;
	v9 =	vadd.s32 s30, v9;
	vm14 =	vge.u32 v13, v14  }
0x147: {  	[tilespmem:v53+s15+$0x0] =	vst.idx.add.f32.msk vm1, v6;
	v9 =	vadd.s32 v2, v9;
	vm15 =	vmand vm13, vm14  }
0x148: {  	s26 =	sadd.s32 $0x1, s26;
	[tilespmem:v10+s15+$0x0] =	vst.idx.add.f32.msk vm3, v6;
	v10 =	vor.u32 s30, v7  }
0x149: {  	v63 =	vor.u32 s30, v8;
	p0 =	sne.s32 s26, $0x4;
	[tilespmem:v55+s15+$0x0] =	vst.idx.add.f32.msk vm2, v6  }
.Ltmp5:
0x14a: {  	[tilespmem:v11+s15+$0x0] =	vst.idx.add.f32.msk vm2, v6;
	(pc) =	sbr.rel @p0 .LBB2_10-.Ltmp5, $4  }
0x14b: {  	[tilespmem:v62+s15+$0x0] =	vst.idx.add.f32.msk vm0, v6  }
0x14c: {  	[tilespmem:v9+s15+$0x0] =	vst.idx.add.f32.msk vm4, v6  }
0x14d: {  	[tilespmem:v10+s15+$0x0] =	vst.idx.add.f32.msk vm15, v6  }
0x14e: {  	s28 =	sadd.s32 $0x20, s28;
	[tilespmem:v63+s15+$0x0] =	vst.idx.add.f32.msk vm15, v6  }
0x14f: {  	s25 =	sadd.s32 $0x1, s25  }
0x150: {  	p0 =	sne.s32 s25, s12  }
.Ltmp6:
0x151: {  	_ = 	snop;
	(pc) =	sbr.rel @p0 .LBB2_1-.Ltmp6, $4  }
0x152: {  	[hbm4b:s11+s13] =	stream.strided.scatter [tilespmem:s15], [sflag:$0x5], $0x1000, s14, s13, $0x38;
	[tilespmem:$0xE880] =	vst v63  }
0x153: {  	_ =	swait.ge [sflag:s23], $0x1000  }
0x154: {  	[sflag:s23] =	ssyncset.done $0x0  }
0x155: {  	[sflag:s23] =	ssyncadd.s32 $0xFFFFF000  }
0x156: {  	_ =	sfence.sel $0x180000  }
0x157: {  	[bflag:$0x0] =	sbarrier.arrive $0xFFFF  }
0x158: {  	_ =	strace $0x90000047  }
0x159: {  	[bflag:$0x2] =	sbarrier.arrive $0xFFFF  }
0x15a: {  	p0 =	sne.s32 s0, $0x0;
	s0 =	rddreg [dreg:$0x3]  }
0x15b: {  	s0 =	sadd.s32 @!p0 $0x100000, s0  }
0x15c: {  	[sflag:s0] =	ssyncadd.tile.s32 @!p0 $0x1;
	_ =	shalt  }
.Lfunc_end2:
_tile_overlayer_lowered:
.L_overlay_start_2:
0x15d: {  	(tag) =	ssettag $0x2  }
0x15e: {  	s0 =	rddreg [dreg:$0x0];
	s2 =	stileid.u32  }
0x15f: {  	s1 =	rddreg [dreg:$0x1];
	p0 =	sne.s32 s2, $0x0  }
0x160: {  	s3 =	rddreg [dreg:$0x2];
	[bflag:$0x3] =	sbarrier.arrive $0xFFFF;
	s2 =	simm.s32 @!p0 $0x1C07  }
0x161: {  	[timem:s3], [sflag:s2] =	dma.local @!p0 [hbm:s0], s1  }
0x162: {  	s0 =	simm.s32 @!p0 $0x7  }
0x163: {  	_ =	swait.ge @!p0 [sflag:s0], s1  }
0x164: {  	s1 =	ssub.s32 @!p0 $0x0, s1;
	[sflag:s0] =	ssyncset.done @!p0 $0x0  }
0x165: {  	[sflag:s0] =	ssyncadd.s32 @!p0 s1  }
0x166: {  	[bflag:$0x3] =	sbarrier.arrive $0xFFFF  }
0x167: {  	_ =	shalt  }

</sc_bundles>
